<compile_context>
chip_gen: v7x
topology: tpu7x:2x2x1
jax: 0.10.2.dev20260603
libtpu: 0.0.44.dev20260713+nightly
codegen_flags: <defaults>
</compile_context>

<pallas_src>
import jax
import jax.numpy as jnp
from jax import lax
from jax.experimental import pallas as pl
from jax.experimental.pallas import tpu as pltpu
from jax.experimental.pallas import tpu_sc as plsc

NC = 2
NS = 16
B = 128
HW = 64
WD = 16


def _sc_aggregate(table2, srcs, dsts, zeros_col, zeros_deg, ones_row,
                  n_rows, g_chunks, with_deg):
  rpt = n_rows // NS

  out_type = [jax.ShapeDtypeStruct((NC * n_rows, HW), jnp.bfloat16)]
  scratch = [
      pltpu.VMEM((g_chunks + 1, B), jnp.int32),
      pltpu.VMEM((g_chunks + 1, B), jnp.int32),
      pltpu.VMEM((B, HW), jnp.bfloat16),
      pltpu.VMEM((B, HW), jnp.bfloat16),
      pltpu.VMEM_SHARED((n_rows, HW), jnp.bfloat16),
      pltpu.SemaphoreType.DMA,
      pltpu.SemaphoreType.DMA,
  ]
  if with_deg:
    out_type.append(jax.ShapeDtypeStruct((NC * n_rows, WD), jnp.float32))
    scratch += [
        pltpu.VMEM((B, WD), jnp.float32),
        pltpu.VMEM_SHARED((n_rows, WD), jnp.float32),
    ]

  mesh = plsc.VectorSubcoreMesh(core_axis_name="c", subcore_axis_name="s")

  def body(table_hbm, srcs_hbm, dsts_hbm, zc_hbm, zd_hbm, ones_hbm,
           part_hbm, *rest):
    if with_deg:
      degp_hbm, idx_src, idx_dst, buf0, buf1, acc, sem0, sem1, ones_v, dacc \
          = rest
    else:
      idx_src, idx_dst, buf0, buf1, acc, sem0, sem1 = rest
    c = lax.axis_index("c")
    s = lax.axis_index("s")
    r0 = s * rpt
    my_table = table_hbm.at[c]
    pltpu.sync_copy(zc_hbm.at[pl.ds(r0, rpt)], acc.at[pl.ds(r0, rpt)])
    if with_deg:
      pltpu.sync_copy(zd_hbm.at[pl.ds(r0, rpt)], dacc.at[pl.ds(r0, rpt)])
      pltpu.sync_copy(ones_hbm, ones_v)
    pltpu.sync_copy(srcs_hbm.at[s], idx_src.at[pl.ds(0, g_chunks)])
    pltpu.sync_copy(dsts_hbm.at[s], idx_dst.at[pl.ds(0, g_chunks)])
    zero16 = jnp.zeros((16,), jnp.int32)
    for j in range(B // 16):
      idx_src[g_chunks, pl.ds(16 * j, 16)] = zero16
    plsc.subcore_barrier()

    def start_gather(g, buf, sem):
      pltpu.async_copy(my_table.at[idx_src.at[g]], buf, sem)

    def finish_chunk(g, parity, buf, sem):
      pltpu.make_async_copy(my_table.at[idx_src.at[g]], buf, sem).wait()
      pltpu.sync_copy(buf, acc.at[idx_dst.at[g]], add=True)
      if with_deg:
        @pl.when(c == parity)
        def _():
          pltpu.sync_copy(ones_v, dacc.at[idx_dst.at[g]], add=True)

    start_gather(0, buf0, sem0)

    def loop_body(g, carry):
      start_gather(2 * g + 1, buf1, sem1)
      finish_chunk(2 * g, 0, buf0, sem0)
      start_gather(2 * g + 2, buf0, sem0)
      finish_chunk(2 * g + 1, 1, buf1, sem1)
      return carry

    lax.fori_loop(0, g_chunks // 2, loop_body, 0)
    pltpu.make_async_copy(my_table.at[idx_src.at[g_chunks]], buf0,
                          sem0).wait()
    plsc.subcore_barrier()
    pltpu.sync_copy(acc.at[pl.ds(r0, rpt)],
                    part_hbm.at[pl.ds(c * n_rows + r0, rpt)])
    if with_deg:
      pltpu.sync_copy(dacc.at[pl.ds(r0, rpt)],
                      degp_hbm.at[pl.ds(c * n_rows + r0, rpt)])

  run = pl.kernel(body, out_type=tuple(out_type), mesh=mesh,
                  scratch_types=tuple(scratch),
                  compiler_params=pltpu.CompilerParams(
                      use_tc_tiling_on_sc=False))
  return run(table2, srcs, dsts, zeros_col, zeros_deg, ones_row)


def _tc_layer1(x_ref, p1_ref, dg_ref, ws1_ref, wn1_ref, b1_ref,
               wn2_ref, ws2_ref, b2_ref, z2_ref, s2_ref):
  p = p1_ref[...].astype(jnp.float32)
  d3 = dg_ref[...]
  deg = (d3[0] + d3[1])[:, 0:1]
  inv = 1.0 / jnp.maximum(deg, 1.0)
  hn = jnp.concatenate([p[0], p[1]], axis=1) * inv
  x = x_ref[...]
  def matT(a, w_ref):
    return lax.dot_general(a, w_ref[...], (((1,), (1,)), ((), ())),
                           preferred_element_type=jnp.float32)

  h1 = jnp.maximum(matT(x, ws1_ref) + matT(hn, wn1_ref) + b1_ref[...], 0.0)
  z = matT(h1, wn2_ref).astype(jnp.bfloat16)
  z2_ref[0] = z[:, :HW]
  z2_ref[1] = z[:, HW:]
  s2_ref[...] = matT(h1, ws2_ref) + b2_ref[...]


def _tc_layer2(s2_ref, p2_ref, dg_ref, out_ref):
  p = p2_ref[...].astype(jnp.float32)
  d3 = dg_ref[...]
  deg = (d3[0] + d3[1])[:, 0:1]
  inv = 1.0 / jnp.maximum(deg, 1.0)
  out_ref[...] = s2_ref[...] + jnp.concatenate([p[0], p[1]], axis=1) * inv


def kernel(features, edge_index, W_self1, W_neigh1, b1, W_self2, W_neigh2, b2):
  n, d = features.shape
  h = W_self1.shape[0]
  e = edge_index.shape[1]

  per_w = -(-e // NS)
  g_chunks = 2 * (-(-per_w // (2 * B)))
  e_pad = NS * g_chunks * B
  n_rows = ((n + 1 + NS * 8 - 1) // (NS * 8)) * (NS * 8)

  src = edge_index[0]
  dst = edge_index[1]
  pad = e_pad - e
  srcs = jnp.concatenate([src, jnp.zeros((pad,), src.dtype)])
  dsts = jnp.concatenate([dst, jnp.full((pad,), n, dst.dtype)])
  srcs = srcs.reshape(NS, g_chunks, B).astype(jnp.int32)
  dsts = dsts.reshape(NS, g_chunks, B).astype(jnp.int32)

  zeros_col = jnp.zeros((n_rows, HW), jnp.bfloat16)
  zeros_deg = jnp.zeros((n_rows, WD), jnp.float32)
  ones_row = jnp.ones((B, WD), jnp.float32)

  f2 = jnp.stack([features[:, :HW], features[:, HW:]]).astype(jnp.bfloat16)

  part1, degp = _sc_aggregate(f2, srcs, dsts, zeros_col, zeros_deg,
                              ones_row, n_rows, g_chunks, with_deg=True)
  part1 = part1.reshape(NC, n_rows, HW)
  degp = degp.reshape(NC, n_rows, WD)

  rb = 1000
  grid = (n // rb,)
  z2, s2 = pl.pallas_call(
      _tc_layer1,
      grid=grid,
      in_specs=[
          pl.BlockSpec((rb, d), lambda i: (i, 0)),
          pl.BlockSpec((NC, rb, HW), lambda i: (0, i, 0)),
          pl.BlockSpec((NC, rb, WD), lambda i: (0, i, 0)),
          pl.BlockSpec((h, d), lambda i: (0, 0)),
          pl.BlockSpec((h, d), lambda i: (0, 0)),
          pl.BlockSpec((1, h), lambda i: (0, 0)),
          pl.BlockSpec((d, h), lambda i: (0, 0)),
          pl.BlockSpec((d, h), lambda i: (0, 0)),
          pl.BlockSpec((1, d), lambda i: (0, 0)),
      ],
      out_specs=[
          pl.BlockSpec((NC, rb, HW), lambda i: (0, i, 0)),
          pl.BlockSpec((rb, d), lambda i: (i, 0)),
      ],
      out_shape=[
          jax.ShapeDtypeStruct((NC, n, HW), jnp.bfloat16),
          jax.ShapeDtypeStruct((n, d), jnp.float32),
      ],
  )(features, part1, degp, W_self1, W_neigh1, b1.reshape(1, h),
    W_neigh2, W_self2, b2.reshape(1, d))

  part2 = _sc_aggregate(z2, srcs, dsts, zeros_col, zeros_deg, ones_row,
                        n_rows, g_chunks, with_deg=False)[0]
  part2 = part2.reshape(NC, n_rows, HW)

  out = pl.pallas_call(
      _tc_layer2,
      grid=grid,
      in_specs=[
          pl.BlockSpec((rb, d), lambda i: (i, 0)),
          pl.BlockSpec((NC, rb, HW), lambda i: (0, i, 0)),
          pl.BlockSpec((NC, rb, WD), lambda i: (0, i, 0)),
      ],
      out_specs=pl.BlockSpec((rb, d), lambda i: (i, 0)),
      out_shape=jax.ShapeDtypeStruct((n, d), jnp.float32),
  )(s2, part2, degp)
  return out

# --- scband reference (transcript-rebuilt; emitter-appended) ---
"""Pipeline reference for scband-sage-51908974739648 (READ-ONLY COPY).

The authoritative reference and input builder live on the scoring server;
editing this copy changes nothing except your own understanding.
"""

import jax, jax.numpy as jnp
import numpy as np

N = 10000
E = 320000
D = 128
H = 256


def setup_inputs(seed: int = 0) -> dict:
    key = jax.random.key(seed)
    ks = jax.random.split(key, 9)
    features = jax.random.normal(ks[0], (N, D), dtype=jnp.float32)
    edge_index = jax.random.randint(ks[1], (2, E), 0, N)
    # Layer 1: SAGEConv(128 -> 256, mean): fc_self, fc_neigh, bias
    W_self1 = jax.random.normal(ks[2], (H, D), dtype=jnp.float32) * 0.05
    W_neigh1 = jax.random.normal(ks[3], (H, D), dtype=jnp.float32) * 0.05
    b1 = jnp.zeros((H,), dtype=jnp.float32)
    # Layer 2: SAGEConv(256 -> 128, mean)
    W_self2 = jax.random.normal(ks[4], (D, H), dtype=jnp.float32) * 0.05
    W_neigh2 = jax.random.normal(ks[5], (D, H), dtype=jnp.float32) * 0.05
    b2 = jnp.zeros((D,), dtype=jnp.float32)
    return {
        "features": features,
        "edge_index": edge_index,
        "W_self1": W_self1,
        "W_neigh1": W_neigh1,
        "b1": b1,
        "W_self2": W_self2,
        "W_neigh2": W_neigh2,
        "b2": b2,
    }


def _sage_conv_mean(h, src, dst, n_nodes, W_self, W_neigh, b):
    # DGL SAGEConv with aggregator_type='mean':
    #   h_neigh = mean over in-neighbors of h_src
    #   out = fc_self(h_dst) + fc_neigh(h_neigh) + bias
    msg = jnp.take(h, src, axis=0)                                   # gather [E, d]
    neigh_sum = jax.ops.segment_sum(msg, dst, num_segments=n_nodes)  # scatter-add
    ones = jnp.ones((src.shape[0], 1), dtype=h.dtype)
    deg = jax.ops.segment_sum(ones, dst, num_segments=n_nodes)
    h_neigh = neigh_sum / jnp.maximum(deg, 1.0)                      # zero in-degree -> 0
    return h @ W_self.T + h_neigh @ W_neigh.T + b


def reference(features, edge_index, W_self1, W_neigh1, b1, W_self2, W_neigh2, b2):
    src = edge_index[0]
    dst = edge_index[1]
    n_nodes = features.shape[0]
    h = _sage_conv_mean(features, src, dst, n_nodes, W_self1, W_neigh1, b1)
    h = jax.nn.relu(h)
    # dropout is identity in eval mode
    h = _sage_conv_mean(h, src, dst, n_nodes, W_self2, W_neigh2, b2)
    return h

if __name__ == "__main__":
    import jax
    _d = setup_inputs()
    print(jax.jit(kernel)(*tuple(_d.values())))

</pallas_src>

<mosaic_0001>
#map = affine_map<(d0, d1) -> (0, 0, 0)>
#map1 = affine_map<(d0, d1) -> (0, 0)>
module attributes {stable_mosaic.version = 14 : i64} {
  func.func @body(%arg0: i32, %arg1: i32, %arg2: memref<2x10000x64xbf16, #tpu.memory_space<hbm>>, %arg3: memref<16x158x128xi32, #tpu.memory_space<hbm>>, %arg4: memref<16x158x128xi32, #tpu.memory_space<hbm>>, %arg5: memref<10112x64xbf16, #tpu.memory_space<hbm>>, %arg6: memref<10112x16xf32, #tpu.memory_space<hbm>>, %arg7: memref<128x16xf32, #tpu.memory_space<hbm>>, %arg8: memref<20224x64xbf16, #tpu.memory_space<hbm>>, %arg9: memref<159x128xi32, #tpu.memory_space<vmem>>, %arg10: memref<159x128xi32, #tpu.memory_space<vmem>>, %arg11: memref<128x64xbf16, #tpu.memory_space<vmem>>, %arg12: memref<128x64xbf16, #tpu.memory_space<vmem>>, %arg13: memref<10112x64xbf16, #tpu.memory_space<vmem_shared>>, %arg14: memref<!tpu.dma_semaphore, #tpu.memory_space<semaphore_mem>>, %arg15: memref<!tpu.dma_semaphore, #tpu.memory_space<semaphore_mem>>) attributes {dimension_semantics = [#tpu.dimension_semantics<core_parallel>, #tpu.dimension_semantics<subcore_parallel>], iteration_bounds = array<i64: 2, 16>, scalar_prefetch = 0 : i64, scratch_operands = 7 : i64, tpu.core_type = #tpu.core_type<sc_vector_subcore>, window_params = [{transform_indices = #map}, {transform_indices = #map}, {transform_indices = #map}, {transform_indices = #map1}, {transform_indices = #map1}, {transform_indices = #map1}, {transform_indices = #map1}]} {
    %mul3A = arith.constant 632 : i32
    %mul3A_0 = arith.muli %arg1, %mul3A : i32
    "tpu.region"() ({
      %run_scoped3A = tpu.sem_alloc : memref<!tpu.dma_semaphore, #tpu.memory_space<semaphore_mem>>
      %dma_start3A_77 = arith.constant 0 : i32
      %dma_start3A_78 = tpu.memref_slice %arg13[%mul3A_0, %dma_start3A_77] : memref<10112x64xbf16, #tpu.memory_space<vmem_shared>> -> memref<632x64xbf16, #tpu.memory_space<vmem_shared>>
      %dma_start3A_79 = arith.constant 0 : i32
      %dma_start3A_80 = tpu.memref_slice %arg5[%mul3A_0, %dma_start3A_79] : memref<10112x64xbf16, #tpu.memory_space<hbm>> -> memref<632x64xbf16, #tpu.memory_space<hbm>>
      tpu.enqueue_dma source(%dma_start3A_80 : memref<632x64xbf16, #tpu.memory_space<hbm>>) target(%dma_start3A_78 : memref<632x64xbf16, #tpu.memory_space<vmem_shared>>) target_semaphore(%run_scoped3A : memref<!tpu.dma_semaphore, #tpu.memory_space<semaphore_mem>>)
      %dma_wait3A_81 = arith.constant 0 : i32
      %dma_wait3A_82 = tpu.memref_slice %arg13[%mul3A_0, %dma_wait3A_81] : memref<10112x64xbf16, #tpu.memory_space<vmem_shared>> -> memref<632x64xbf16, #tpu.memory_space<vmem_shared>>
      %dma_wait3A_83 = arith.constant 0 : i32
      %dma_wait3A_84 = tpu.memref_slice %arg5[%mul3A_0, %dma_wait3A_83] : memref<10112x64xbf16, #tpu.memory_space<hbm>> -> memref<632x64xbf16, #tpu.memory_space<hbm>>
      tpu.wait_dma2 semaphore(%run_scoped3A : memref<!tpu.dma_semaphore, #tpu.memory_space<semaphore_mem>>) src(%dma_wait3A_84 : memref<632x64xbf16, #tpu.memory_space<hbm>>) dst(%dma_wait3A_82 : memref<632x64xbf16, #tpu.memory_space<vmem_shared>>)
      tpu.yield
    }) : () -> ()
    "tpu.region"() ({
      %run_scoped3A = tpu.sem_alloc : memref<!tpu.dma_semaphore, #tpu.memory_space<semaphore_mem>>
      %dma_start3A_77 = arith.constant 0 : i32
      %dma_start3A_78 = arith.constant 0 : i32
      %dma_start3A_79 = tpu.memref_slice %arg9[%dma_start3A_77, %dma_start3A_78] : memref<159x128xi32, #tpu.memory_space<vmem>> -> memref<158x128xi32, #tpu.memory_space<vmem>>
      %dma_start3A_80 = arith.constant 0 : i32
      %dma_start3A_81 = arith.constant 0 : i32
      %dma_start3A_82 = tpu.memref_slice %arg3[%arg1, %dma_start3A_80, %dma_start3A_81] : memref<16x158x128xi32, #tpu.memory_space<hbm>> -> memref<1x158x128xi32, #tpu.memory_space<hbm>>
      %dma_start3A_83 = tpu.memref_squeeze %dma_start3A_82 : memref<1x158x128xi32, #tpu.memory_space<hbm>> -> memref<158x128xi32, #tpu.memory_space<hbm>>
      %dma_start3A_84 = arith.constant 0 : i32
      %dma_start3A_85 = arith.constant 0 : i32
      %dma_start3A_86 = tpu.memref_slice %arg9[%dma_start3A_84, %dma_start3A_85] : memref<159x128xi32, #tpu.memory_space<vmem>> -> memref<158x128xi32, #tpu.memory_space<vmem>>
      %dma_start3A_87 = arith.constant 0 : i32
      %dma_start3A_88 = arith.constant 0 : i32
      %dma_start3A_89 = tpu.memref_slice %arg3[%arg1, %dma_start3A_87, %dma_start3A_88] : memref<16x158x128xi32, #tpu.memory_space<hbm>> -> memref<1x158x128xi32, #tpu.memory_space<hbm>>
      %dma_start3A_90 = tpu.memref_squeeze %dma_start3A_89 : memref<1x158x128xi32, #tpu.memory_space<hbm>> -> memref<158x128xi32, #tpu.memory_space<hbm>>
      tpu.enqueue_dma source(%dma_start3A_90 : memref<158x128xi32, #tpu.memory_space<hbm>>) target(%dma_start3A_86 : memref<158x128xi32, #tpu.memory_space<vmem>>) target_semaphore(%run_scoped3A : memref<!tpu.dma_semaphore, #tpu.memory_space<semaphore_mem>>)
      %dma_wait3A_91 = arith.constant 0 : i32
      %dma_wait3A_92 = arith.constant 0 : i32
      %dma_wait3A_93 = tpu.memref_slice %arg9[%dma_wait3A_91, %dma_wait3A_92] : memref<159x128xi32, #tpu.memory_space<vmem>> -> memref<158x128xi32, #tpu.memory_space<vmem>>
      %dma_wait3A_94 = arith.constant 0 : i32
      %dma_wait3A_95 = arith.constant 0 : i32
      %dma_wait3A_96 = tpu.memref_slice %arg3[%arg1, %dma_wait3A_94, %dma_wait3A_95] : memref<16x158x128xi32, #tpu.memory_space<hbm>> -> memref<1x158x128xi32, #tpu.memory_space<hbm>>
      %dma_wait3A_97 = tpu.memref_squeeze %dma_wait3A_96 : memref<1x158x128xi32, #tpu.memory_space<hbm>> -> memref<158x128xi32, #tpu.memory_space<hbm>>
      %dma_wait3A_98 = arith.constant 0 : i32
      %dma_wait3A_99 = arith.constant 0 : i32
      %dma_wait3A_100 = tpu.memref_slice %arg9[%dma_wait3A_98, %dma_wait3A_99] : memref<159x128xi32, #tpu.memory_space<vmem>> -> memref<158x128xi32, #tpu.memory_space<vmem>>
      %dma_wait3A_101 = arith.constant 0 : i32
      %dma_wait3A_102 = arith.constant 0 : i32
      %dma_wait3A_103 = tpu.memref_slice %arg3[%arg1, %dma_wait3A_101, %dma_wait3A_102] : memref<16x158x128xi32, #tpu.memory_space<hbm>> -> memref<1x158x128xi32, #tpu.memory_space<hbm>>
      %dma_wait3A_104 = tpu.memref_squeeze %dma_wait3A_103 : memref<1x158x128xi32, #tpu.memory_space<hbm>> -> memref<158x128xi32, #tpu.memory_space<hbm>>
      tpu.wait_dma2 semaphore(%run_scoped3A : memref<!tpu.dma_semaphore, #tpu.memory_space<semaphore_mem>>) src(%dma_wait3A_104 : memref<158x128xi32, #tpu.memory_space<hbm>>) dst(%dma_wait3A_100 : memref<158x128xi32, #tpu.memory_space<vmem>>)
      tpu.yield
    }) : () -> ()
    "tpu.region"() ({
      %run_scoped3A = tpu.sem_alloc : memref<!tpu.dma_semaphore, #tpu.memory_space<semaphore_mem>>
      %dma_start3A_77 = arith.constant 0 : i32
      %dma_start3A_78 = arith.constant 0 : i32
      %dma_start3A_79 = tpu.memref_slice %arg10[%dma_start3A_77, %dma_start3A_78] : memref<159x128xi32, #tpu.memory_space<vmem>> -> memref<158x128xi32, #tpu.memory_space<vmem>>
      %dma_start3A_80 = arith.constant 0 : i32
      %dma_start3A_81 = arith.constant 0 : i32
      %dma_start3A_82 = tpu.memref_slice %arg4[%arg1, %dma_start3A_80, %dma_start3A_81] : memref<16x158x128xi32, #tpu.memory_space<hbm>> -> memref<1x158x128xi32, #tpu.memory_space<hbm>>
      %dma_start3A_83 = tpu.memref_squeeze %dma_start3A_82 : memref<1x158x128xi32, #tpu.memory_space<hbm>> -> memref<158x128xi32, #tpu.memory_space<hbm>>
      %dma_start3A_84 = arith.constant 0 : i32
      %dma_start3A_85 = arith.constant 0 : i32
      %dma_start3A_86 = tpu.memref_slice %arg10[%dma_start3A_84, %dma_start3A_85] : memref<159x128xi32, #tpu.memory_space<vmem>> -> memref<158x128xi32, #tpu.memory_space<vmem>>
      %dma_start3A_87 = arith.constant 0 : i32
      %dma_start3A_88 = arith.constant 0 : i32
      %dma_start3A_89 = tpu.memref_slice %arg4[%arg1, %dma_start3A_87, %dma_start3A_88] : memref<16x158x128xi32, #tpu.memory_space<hbm>> -> memref<1x158x128xi32, #tpu.memory_space<hbm>>
      %dma_start3A_90 = tpu.memref_squeeze %dma_start3A_89 : memref<1x158x128xi32, #tpu.memory_space<hbm>> -> memref<158x128xi32, #tpu.memory_space<hbm>>
      tpu.enqueue_dma source(%dma_start3A_90 : memref<158x128xi32, #tpu.memory_space<hbm>>) target(%dma_start3A_86 : memref<158x128xi32, #tpu.memory_space<vmem>>) target_semaphore(%run_scoped3A : memref<!tpu.dma_semaphore, #tpu.memory_space<semaphore_mem>>)
      %dma_wait3A_91 = arith.constant 0 : i32
      %dma_wait3A_92 = arith.constant 0 : i32
      %dma_wait3A_93 = tpu.memref_slice %arg10[%dma_wait3A_91, %dma_wait3A_92] : memref<159x128xi32, #tpu.memory_space<vmem>> -> memref<158x128xi32, #tpu.memory_space<vmem>>
      %dma_wait3A_94 = arith.constant 0 : i32
      %dma_wait3A_95 = arith.constant 0 : i32
      %dma_wait3A_96 = tpu.memref_slice %arg4[%arg1, %dma_wait3A_94, %dma_wait3A_95] : memref<16x158x128xi32, #tpu.memory_space<hbm>> -> memref<1x158x128xi32, #tpu.memory_space<hbm>>
      %dma_wait3A_97 = tpu.memref_squeeze %dma_wait3A_96 : memref<1x158x128xi32, #tpu.memory_space<hbm>> -> memref<158x128xi32, #tpu.memory_space<hbm>>
      %dma_wait3A_98 = arith.constant 0 : i32
      %dma_wait3A_99 = arith.constant 0 : i32
      %dma_wait3A_100 = tpu.memref_slice %arg10[%dma_wait3A_98, %dma_wait3A_99] : memref<159x128xi32, #tpu.memory_space<vmem>> -> memref<158x128xi32, #tpu.memory_space<vmem>>
      %dma_wait3A_101 = arith.constant 0 : i32
      %dma_wait3A_102 = arith.constant 0 : i32
      %dma_wait3A_103 = tpu.memref_slice %arg4[%arg1, %dma_wait3A_101, %dma_wait3A_102] : memref<16x158x128xi32, #tpu.memory_space<hbm>> -> memref<1x158x128xi32, #tpu.memory_space<hbm>>
      %dma_wait3A_104 = tpu.memref_squeeze %dma_wait3A_103 : memref<1x158x128xi32, #tpu.memory_space<hbm>> -> memref<158x128xi32, #tpu.memory_space<hbm>>
      tpu.wait_dma2 semaphore(%run_scoped3A : memref<!tpu.dma_semaphore, #tpu.memory_space<semaphore_mem>>) src(%dma_wait3A_104 : memref<158x128xi32, #tpu.memory_space<hbm>>) dst(%dma_wait3A_100 : memref<158x128xi32, #tpu.memory_space<vmem>>)
      tpu.yield
    }) : () -> ()
    %broadcast_in_dim3A = arith.constant 0 : i32
    %broadcast_in_dim3A_1 = vector.broadcast %broadcast_in_dim3A : i32 to vector<16xi32>
    %swap3A = arith.constant 158 : i32
    %swap3A_2 = arith.index_cast %swap3A : i32 to index
    %swap3A_3 = arith.constant 0 : index
    %swap3A_4 = tpu.vector_load %arg9[%swap3A_2, %swap3A_3] {strides = array<i32>} : memref<159x128xi32, #tpu.memory_space<vmem>>, vector<1x16xi32>,
    %swap3A_5 = vector.shape_cast %swap3A_4 : vector<1x16xi32> to vector<16xi32>
    %swap3A_6 = vector.shape_cast %broadcast_in_dim3A_1 : vector<16xi32> to vector<1x16xi32>
    tpu.vector_store %arg9[%swap3A_2, %swap3A_3], %swap3A_6 {strides = array<i32>} : memref<159x128xi32, #tpu.memory_space<vmem>>, vector<1x16xi32>,
    %swap3A_7 = arith.constant 158 : i32
    %swap3A_8 = arith.index_cast %swap3A_7 : i32 to index
    %swap3A_9 = arith.constant 16 : index
    %swap3A_10 = tpu.vector_load %arg9[%swap3A_8, %swap3A_9] {strides = array<i32>} : memref<159x128xi32, #tpu.memory_space<vmem>>, vector<1x16xi32>,
    %swap3A_11 = vector.shape_cast %swap3A_10 : vector<1x16xi32> to vector<16xi32>
    %swap3A_12 = vector.shape_cast %broadcast_in_dim3A_1 : vector<16xi32> to vector<1x16xi32>
    tpu.vector_store %arg9[%swap3A_8, %swap3A_9], %swap3A_12 {strides = array<i32>} : memref<159x128xi32, #tpu.memory_space<vmem>>, vector<1x16xi32>,
    %swap3A_13 = arith.constant 158 : i32
    %swap3A_14 = arith.index_cast %swap3A_13 : i32 to index
    %swap3A_15 = arith.constant 32 : index
    %swap3A_16 = tpu.vector_load %arg9[%swap3A_14, %swap3A_15] {strides = array<i32>} : memref<159x128xi32, #tpu.memory_space<vmem>>, vector<1x16xi32>,
    %swap3A_17 = vector.shape_cast %swap3A_16 : vector<1x16xi32> to vector<16xi32>
    %swap3A_18 = vector.shape_cast %broadcast_in_dim3A_1 : vector<16xi32> to vector<1x16xi32>
    tpu.vector_store %arg9[%swap3A_14, %swap3A_15], %swap3A_18 {strides = array<i32>} : memref<159x128xi32, #tpu.memory_space<vmem>>, vector<1x16xi32>,
    %swap3A_19 = arith.constant 158 : i32
    %swap3A_20 = arith.index_cast %swap3A_19 : i32 to index
    %swap3A_21 = arith.constant 48 : index
    %swap3A_22 = tpu.vector_load %arg9[%swap3A_20, %swap3A_21] {strides = array<i32>} : memref<159x128xi32, #tpu.memory_space<vmem>>, vector<1x16xi32>,
    %swap3A_23 = vector.shape_cast %swap3A_22 : vector<1x16xi32> to vector<16xi32>
    %swap3A_24 = vector.shape_cast %broadcast_in_dim3A_1 : vector<16xi32> to vector<1x16xi32>
    tpu.vector_store %arg9[%swap3A_20, %swap3A_21], %swap3A_24 {strides = array<i32>} : memref<159x128xi32, #tpu.memory_space<vmem>>, vector<1x16xi32>,
    %swap3A_25 = arith.constant 158 : i32
    %swap3A_26 = arith.index_cast %swap3A_25 : i32 to index
    %swap3A_27 = arith.constant 64 : index
    %swap3A_28 = tpu.vector_load %arg9[%swap3A_26, %swap3A_27] {strides = array<i32>} : memref<159x128xi32, #tpu.memory_space<vmem>>, vector<1x16xi32>,
    %swap3A_29 = vector.shape_cast %swap3A_28 : vector<1x16xi32> to vector<16xi32>
    %swap3A_30 = vector.shape_cast %broadcast_in_dim3A_1 : vector<16xi32> to vector<1x16xi32>
    tpu.vector_store %arg9[%swap3A_26, %swap3A_27], %swap3A_30 {strides = array<i32>} : memref<159x128xi32, #tpu.memory_space<vmem>>, vector<1x16xi32>,
    %swap3A_31 = arith.constant 158 : i32
    %swap3A_32 = arith.index_cast %swap3A_31 : i32 to index
    %swap3A_33 = arith.constant 80 : index
    %swap3A_34 = tpu.vector_load %arg9[%swap3A_32, %swap3A_33] {strides = array<i32>} : memref<159x128xi32, #tpu.memory_space<vmem>>, vector<1x16xi32>,
    %swap3A_35 = vector.shape_cast %swap3A_34 : vector<1x16xi32> to vector<16xi32>
    %swap3A_36 = vector.shape_cast %broadcast_in_dim3A_1 : vector<16xi32> to vector<1x16xi32>
    tpu.vector_store %arg9[%swap3A_32, %swap3A_33], %swap3A_36 {strides = array<i32>} : memref<159x128xi32, #tpu.memory_space<vmem>>, vector<1x16xi32>,
    %swap3A_37 = arith.constant 158 : i32
    %swap3A_38 = arith.index_cast %swap3A_37 : i32 to index
    %swap3A_39 = arith.constant 96 : index
    %swap3A_40 = tpu.vector_load %arg9[%swap3A_38, %swap3A_39] {strides = array<i32>} : memref<159x128xi32, #tpu.memory_space<vmem>>, vector<1x16xi32>,
    %swap3A_41 = vector.shape_cast %swap3A_40 : vector<1x16xi32> to vector<16xi32>
    %swap3A_42 = vector.shape_cast %broadcast_in_dim3A_1 : vector<16xi32> to vector<1x16xi32>
    tpu.vector_store %arg9[%swap3A_38, %swap3A_39], %swap3A_42 {strides = array<i32>} : memref<159x128xi32, #tpu.memory_space<vmem>>, vector<1x16xi32>,
    %swap3A_43 = arith.constant 158 : i32
    %swap3A_44 = arith.index_cast %swap3A_43 : i32 to index
    %swap3A_45 = arith.constant 112 : index
    %swap3A_46 = tpu.vector_load %arg9[%swap3A_44, %swap3A_45] {strides = array<i32>} : memref<159x128xi32, #tpu.memory_space<vmem>>, vector<1x16xi32>,
    %swap3A_47 = vector.shape_cast %swap3A_46 : vector<1x16xi32> to vector<16xi32>
    %swap3A_48 = vector.shape_cast %broadcast_in_dim3A_1 : vector<16xi32> to vector<1x16xi32>
    tpu.vector_store %arg9[%swap3A_44, %swap3A_45], %swap3A_48 {strides = array<i32>} : memref<159x128xi32, #tpu.memory_space<vmem>>, vector<1x16xi32>,
    %barrier3A = arith.constant 0 : index
    tpu.barrier barrier_id(%barrier3A)
    %dma_start3A = arith.constant 0 : i32
    %dma_start3A_49 = arith.constant 0 : i32
    %dma_start3A_50 = tpu.memref_slice %arg9[%dma_start3A, %dma_start3A_49] : memref<159x128xi32, #tpu.memory_space<vmem>> -> memref<1x128xi32, #tpu.memory_space<vmem>>
    %dma_start3A_51 = tpu.memref_squeeze %dma_start3A_50 : memref<1x128xi32, #tpu.memory_space<vmem>> -> memref<128xi32, #tpu.memory_space<vmem>>
    %dma_start3A_52 = arith.constant 0 : i32
    %dma_start3A_53 = arith.constant 0 : i32
    %dma_start3A_54 = tpu.memref_slice %arg2[%arg0, %dma_start3A_52, %dma_start3A_53] : memref<2x10000x64xbf16, #tpu.memory_space<hbm>> -> memref<1x10000x64xbf16, #tpu.memory_space<hbm>>
    %dma_start3A_55 = tpu.memref_squeeze %dma_start3A_54 : memref<1x10000x64xbf16, #tpu.memory_space<hbm>> -> memref<10000x64xbf16, #tpu.memory_space<hbm>>
    %dma_start3A_56 = arith.constant 0 : i32
    %dma_start3A_57 = arith.constant 0 : i32
    %dma_start3A_58 = tpu.memref_slice %dma_start3A_55[%dma_start3A_56, %dma_start3A_57] : memref<10000x64xbf16, #tpu.memory_space<hbm>> -> memref<10000x64xbf16, #tpu.memory_space<hbm>>
    tpu.enqueue_indirect_dma source(%dma_start3A_58 : memref<10000x64xbf16, #tpu.memory_space<hbm>>) target(%arg11 : memref<128x64xbf16, #tpu.memory_space<vmem>>) offsets(%dma_start3A_51 : memref<128xi32, #tpu.memory_space<vmem>>) semaphore(%arg14 : memref<!tpu.dma_semaphore, #tpu.memory_space<semaphore_mem>>)
    %scan3A = arith.constant 0 : i32
    %scan3A_59 = arith.constant 0 : i32
    %scan3A_60 = arith.constant 79 : i32
    %scan3A_61 = arith.addi %scan3A_59, %scan3A_60 : i32
    %scan3A_62 = arith.constant 1 : i32
    scf.for %scan3A_77 = %scan3A_59 to %scan3A_61 step %scan3A_62  : i32 {
      %mul3A_78 = arith.constant 2 : i32
      %mul3A_79 = arith.muli %mul3A_78, %scan3A_77 : i32
      %add3A_80 = arith.constant 1 : i32
      %add3A_81 = arith.addi %mul3A_79, %add3A_80 : i32
      %dma_start3A_82 = arith.constant 0 : i32
      %dma_start3A_83 = tpu.memref_slice %arg9[%add3A_81, %dma_start3A_82] : memref<159x128xi32, #tpu.memory_space<vmem>> -> memref<1x128xi32, #tpu.memory_space<vmem>>
      %dma_start3A_84 = tpu.memref_squeeze %dma_start3A_83 : memref<1x128xi32, #tpu.memory_space<vmem>> -> memref<128xi32, #tpu.memory_space<vmem>>
      %dma_start3A_85 = arith.constant 0 : i32
      %dma_start3A_86 = arith.constant 0 : i32
      %dma_start3A_87 = tpu.memref_slice %arg2[%arg0, %dma_start3A_85, %dma_start3A_86] : memref<2x10000x64xbf16, #tpu.memory_space<hbm>> -> memref<1x10000x64xbf16, #tpu.memory_space<hbm>>
      %dma_start3A_88 = tpu.memref_squeeze %dma_start3A_87 : memref<1x10000x64xbf16, #tpu.memory_space<hbm>> -> memref<10000x64xbf16, #tpu.memory_space<hbm>>
      %dma_start3A_89 = arith.constant 0 : i32
      %dma_start3A_90 = arith.constant 0 : i32
      %dma_start3A_91 = tpu.memref_slice %dma_start3A_88[%dma_start3A_89, %dma_start3A_90] : memref<10000x64xbf16, #tpu.memory_space<hbm>> -> memref<10000x64xbf16, #tpu.memory_space<hbm>>
      tpu.enqueue_indirect_dma source(%dma_start3A_91 : memref<10000x64xbf16, #tpu.memory_space<hbm>>) target(%arg12 : memref<128x64xbf16, #tpu.memory_space<vmem>>) offsets(%dma_start3A_84 : memref<128xi32, #tpu.memory_space<vmem>>) semaphore(%arg15 : memref<!tpu.dma_semaphore, #tpu.memory_space<semaphore_mem>>)
      %mul3A_92 = arith.constant 2 : i32
      %mul3A_93 = arith.muli %mul3A_92, %scan3A_77 : i32
      %dma_wait3A_94 = arith.constant 0 : i32
      %dma_wait3A_95 = tpu.memref_slice %arg9[%mul3A_93, %dma_wait3A_94] : memref<159x128xi32, #tpu.memory_space<vmem>> -> memref<1x128xi32, #tpu.memory_space<vmem>>
      %dma_wait3A_96 = tpu.memref_squeeze %dma_wait3A_95 : memref<1x128xi32, #tpu.memory_space<vmem>> -> memref<128xi32, #tpu.memory_space<vmem>>
      %dma_wait3A_97 = arith.constant 0 : i32
      %dma_wait3A_98 = arith.constant 0 : i32
      %dma_wait3A_99 = tpu.memref_slice %arg2[%arg0, %dma_wait3A_97, %dma_wait3A_98] : memref<2x10000x64xbf16, #tpu.memory_space<hbm>> -> memref<1x10000x64xbf16, #tpu.memory_space<hbm>>
      %dma_wait3A_100 = tpu.memref_squeeze %dma_wait3A_99 : memref<1x10000x64xbf16, #tpu.memory_space<hbm>> -> memref<10000x64xbf16, #tpu.memory_space<hbm>>
      %dma_wait3A_101 = arith.constant 0 : i32
      %dma_wait3A_102 = arith.constant 0 : i32
      %dma_wait3A_103 = tpu.memref_slice %dma_wait3A_100[%dma_wait3A_101, %dma_wait3A_102] : memref<10000x64xbf16, #tpu.memory_space<hbm>> -> memref<10000x64xbf16, #tpu.memory_space<hbm>>
      tpu.wait_indirect_dma semaphore(%arg14 : memref<!tpu.dma_semaphore, #tpu.memory_space<semaphore_mem>>) src(%dma_wait3A_103 : memref<10000x64xbf16, #tpu.memory_space<hbm>>) dst(%arg11 : memref<128x64xbf16, #tpu.memory_space<vmem>>)
      "tpu.region"() ({
        %run_scoped3A = tpu.sem_alloc : memref<!tpu.dma_semaphore, #tpu.memory_space<semaphore_mem>>
        %dma_start3A_132 = arith.constant 0 : i32
        %dma_start3A_133 = tpu.memref_slice %arg10[%mul3A_93, %dma_start3A_132] : memref<159x128xi32, #tpu.memory_space<vmem>> -> memref<1x128xi32, #tpu.memory_space<vmem>>
        %dma_start3A_134 = tpu.memref_squeeze %dma_start3A_133 : memref<1x128xi32, #tpu.memory_space<vmem>> -> memref<128xi32, #tpu.memory_space<vmem>>
        %dma_start3A_135 = arith.constant 0 : i32
        %dma_start3A_136 = arith.constant 0 : i32
        %dma_start3A_137 = tpu.memref_slice %arg13[%dma_start3A_135, %dma_start3A_136] : memref<10112x64xbf16, #tpu.memory_space<vmem_shared>> -> memref<10112x64xbf16, #tpu.memory_space<vmem_shared>>
        tpu.enqueue_indirect_dma source(%arg11 : memref<128x64xbf16, #tpu.memory_space<vmem>>) target(%dma_start3A_137 : memref<10112x64xbf16, #tpu.memory_space<vmem_shared>>) offsets(%dma_start3A_134 : memref<128xi32, #tpu.memory_space<vmem>>) semaphore(%run_scoped3A : memref<!tpu.dma_semaphore, #tpu.memory_space<semaphore_mem>>) {add = true}
        %dma_wait3A_138 = arith.constant 0 : i32
        %dma_wait3A_139 = tpu.memref_slice %arg10[%mul3A_93, %dma_wait3A_138] : memref<159x128xi32, #tpu.memory_space<vmem>> -> memref<1x128xi32, #tpu.memory_space<vmem>>
        %dma_wait3A_140 = tpu.memref_squeeze %dma_wait3A_139 : memref<1x128xi32, #tpu.memory_space<vmem>> -> memref<128xi32, #tpu.memory_space<vmem>>
        %dma_wait3A_141 = arith.constant 0 : i32
        %dma_wait3A_142 = arith.constant 0 : i32
        %dma_wait3A_143 = tpu.memref_slice %arg13[%dma_wait3A_141, %dma_wait3A_142] : memref<10112x64xbf16, #tpu.memory_space<vmem_shared>> -> memref<10112x64xbf16, #tpu.memory_space<vmem_shared>>
        tpu.wait_indirect_dma semaphore(%run_scoped3A : memref<!tpu.dma_semaphore, #tpu.memory_space<semaphore_mem>>) src(%arg11 : memref<128x64xbf16, #tpu.memory_space<vmem>>) dst(%dma_wait3A_143 : memref<10112x64xbf16, #tpu.memory_space<vmem_shared>>)
        tpu.yield
      }) : () -> ()
      %mul3A_104 = arith.constant 2 : i32
      %mul3A_105 = arith.muli %mul3A_104, %scan3A_77 : i32
      %add3A_106 = arith.constant 2 : i32
      %add3A_107 = arith.addi %mul3A_105, %add3A_106 : i32
      %dma_start3A_108 = arith.constant 0 : i32
      %dma_start3A_109 = tpu.memref_slice %arg9[%add3A_107, %dma_start3A_108] : memref<159x128xi32, #tpu.memory_space<vmem>> -> memref<1x128xi32, #tpu.memory_space<vmem>>
      %dma_start3A_110 = tpu.memref_squeeze %dma_start3A_109 : memref<1x128xi32, #tpu.memory_space<vmem>> -> memref<128xi32, #tpu.memory_space<vmem>>
      %dma_start3A_111 = arith.constant 0 : i32
      %dma_start3A_112 = arith.constant 0 : i32
      %dma_start3A_113 = tpu.memref_slice %arg2[%arg0, %dma_start3A_111, %dma_start3A_112] : memref<2x10000x64xbf16, #tpu.memory_space<hbm>> -> memref<1x10000x64xbf16, #tpu.memory_space<hbm>>
      %dma_start3A_114 = tpu.memref_squeeze %dma_start3A_113 : memref<1x10000x64xbf16, #tpu.memory_space<hbm>> -> memref<10000x64xbf16, #tpu.memory_space<hbm>>
      %dma_start3A_115 = arith.constant 0 : i32
      %dma_start3A_116 = arith.constant 0 : i32
      %dma_start3A_117 = tpu.memref_slice %dma_start3A_114[%dma_start3A_115, %dma_start3A_116] : memref<10000x64xbf16, #tpu.memory_space<hbm>> -> memref<10000x64xbf16, #tpu.memory_space<hbm>>
      tpu.enqueue_indirect_dma source(%dma_start3A_117 : memref<10000x64xbf16, #tpu.memory_space<hbm>>) target(%arg11 : memref<128x64xbf16, #tpu.memory_space<vmem>>) offsets(%dma_start3A_110 : memref<128xi32, #tpu.memory_space<vmem>>) semaphore(%arg14 : memref<!tpu.dma_semaphore, #tpu.memory_space<semaphore_mem>>)
      %mul3A_118 = arith.constant 2 : i32
      %mul3A_119 = arith.muli %mul3A_118, %scan3A_77 : i32
      %add3A_120 = arith.constant 1 : i32
      %add3A_121 = arith.addi %mul3A_119, %add3A_120 : i32
      %dma_wait3A_122 = arith.constant 0 : i32
      %dma_wait3A_123 = tpu.memref_slice %arg9[%add3A_121, %dma_wait3A_122] : memref<159x128xi32, #tpu.memory_space<vmem>> -> memref<1x128xi32, #tpu.memory_space<vmem>>
      %dma_wait3A_124 = tpu.memref_squeeze %dma_wait3A_123 : memref<1x128xi32, #tpu.memory_space<vmem>> -> memref<128xi32, #tpu.memory_space<vmem>>
      %dma_wait3A_125 = arith.constant 0 : i32
      %dma_wait3A_126 = arith.constant 0 : i32
      %dma_wait3A_127 = tpu.memref_slice %arg2[%arg0, %dma_wait3A_125, %dma_wait3A_126] : memref<2x10000x64xbf16, #tpu.memory_space<hbm>> -> memref<1x10000x64xbf16, #tpu.memory_space<hbm>>
      %dma_wait3A_128 = tpu.memref_squeeze %dma_wait3A_127 : memref<1x10000x64xbf16, #tpu.memory_space<hbm>> -> memref<10000x64xbf16, #tpu.memory_space<hbm>>
      %dma_wait3A_129 = arith.constant 0 : i32
      %dma_wait3A_130 = arith.constant 0 : i32
      %dma_wait3A_131 = tpu.memref_slice %dma_wait3A_128[%dma_wait3A_129, %dma_wait3A_130] : memref<10000x64xbf16, #tpu.memory_space<hbm>> -> memref<10000x64xbf16, #tpu.memory_space<hbm>>
      tpu.wait_indirect_dma semaphore(%arg15 : memref<!tpu.dma_semaphore, #tpu.memory_space<semaphore_mem>>) src(%dma_wait3A_131 : memref<10000x64xbf16, #tpu.memory_space<hbm>>) dst(%arg12 : memref<128x64xbf16, #tpu.memory_space<vmem>>)
      "tpu.region"() ({
        %run_scoped3A = tpu.sem_alloc : memref<!tpu.dma_semaphore, #tpu.memory_space<semaphore_mem>>
        %dma_start3A_132 = arith.constant 0 : i32
        %dma_start3A_133 = tpu.memref_slice %arg10[%add3A_121, %dma_start3A_132] : memref<159x128xi32, #tpu.memory_space<vmem>> -> memref<1x128xi32, #tpu.memory_space<vmem>>
        %dma_start3A_134 = tpu.memref_squeeze %dma_start3A_133 : memref<1x128xi32, #tpu.memory_space<vmem>> -> memref<128xi32, #tpu.memory_space<vmem>>
        %dma_start3A_135 = arith.constant 0 : i32
        %dma_start3A_136 = arith.constant 0 : i32
        %dma_start3A_137 = tpu.memref_slice %arg13[%dma_start3A_135, %dma_start3A_136] : memref<10112x64xbf16, #tpu.memory_space<vmem_shared>> -> memref<10112x64xbf16, #tpu.memory_space<vmem_shared>>
        tpu.enqueue_indirect_dma source(%arg12 : memref<128x64xbf16, #tpu.memory_space<vmem>>) target(%dma_start3A_137 : memref<10112x64xbf16, #tpu.memory_space<vmem_shared>>) offsets(%dma_start3A_134 : memref<128xi32, #tpu.memory_space<vmem>>) semaphore(%run_scoped3A : memref<!tpu.dma_semaphore, #tpu.memory_space<semaphore_mem>>) {add = true}
        %dma_wait3A_138 = arith.constant 0 : i32
        %dma_wait3A_139 = tpu.memref_slice %arg10[%add3A_121, %dma_wait3A_138] : memref<159x128xi32, #tpu.memory_space<vmem>> -> memref<1x128xi32, #tpu.memory_space<vmem>>
        %dma_wait3A_140 = tpu.memref_squeeze %dma_wait3A_139 : memref<1x128xi32, #tpu.memory_space<vmem>> -> memref<128xi32, #tpu.memory_space<vmem>>
        %dma_wait3A_141 = arith.constant 0 : i32
        %dma_wait3A_142 = arith.constant 0 : i32
        %dma_wait3A_143 = tpu.memref_slice %arg13[%dma_wait3A_141, %dma_wait3A_142] : memref<10112x64xbf16, #tpu.memory_space<vmem_shared>> -> memref<10112x64xbf16, #tpu.memory_space<vmem_shared>>
        tpu.wait_indirect_dma semaphore(%run_scoped3A : memref<!tpu.dma_semaphore, #tpu.memory_space<semaphore_mem>>) src(%arg12 : memref<128x64xbf16, #tpu.memory_space<vmem>>) dst(%dma_wait3A_143 : memref<10112x64xbf16, #tpu.memory_space<vmem_shared>>)
        tpu.yield
      }) : () -> ()
    }
    %scan3A_63 = arith.constant 79 : i32
    %dma_wait3A = arith.constant 158 : i32
    %dma_wait3A_64 = arith.constant 0 : i32
    %dma_wait3A_65 = tpu.memref_slice %arg9[%dma_wait3A, %dma_wait3A_64] : memref<159x128xi32, #tpu.memory_space<vmem>> -> memref<1x128xi32, #tpu.memory_space<vmem>>
    %dma_wait3A_66 = tpu.memref_squeeze %dma_wait3A_65 : memref<1x128xi32, #tpu.memory_space<vmem>> -> memref<128xi32, #tpu.memory_space<vmem>>
    %dma_wait3A_67 = arith.constant 0 : i32
    %dma_wait3A_68 = arith.constant 0 : i32
    %dma_wait3A_69 = tpu.memref_slice %arg2[%arg0, %dma_wait3A_67, %dma_wait3A_68] : memref<2x10000x64xbf16, #tpu.memory_space<hbm>> -> memref<1x10000x64xbf16, #tpu.memory_space<hbm>>
    %dma_wait3A_70 = tpu.memref_squeeze %dma_wait3A_69 : memref<1x10000x64xbf16, #tpu.memory_space<hbm>> -> memref<10000x64xbf16, #tpu.memory_space<hbm>>
    %dma_wait3A_71 = arith.constant 0 : i32
    %dma_wait3A_72 = arith.constant 0 : i32
    %dma_wait3A_73 = tpu.memref_slice %dma_wait3A_70[%dma_wait3A_71, %dma_wait3A_72] : memref<10000x64xbf16, #tpu.memory_space<hbm>> -> memref<10000x64xbf16, #tpu.memory_space<hbm>>
    tpu.wait_indirect_dma semaphore(%arg14 : memref<!tpu.dma_semaphore, #tpu.memory_space<semaphore_mem>>) src(%dma_wait3A_73 : memref<10000x64xbf16, #tpu.memory_space<hbm>>) dst(%arg11 : memref<128x64xbf16, #tpu.memory_space<vmem>>)
    %barrier3A_74 = arith.constant 0 : index
    tpu.barrier barrier_id(%barrier3A_74)
    %mul3A_75 = arith.constant 10112 : i32
    %mul3A_76 = arith.muli %arg0, %mul3A_75 : i32
    %add3A = arith.addi %mul3A_76, %mul3A_0 : i32
    "tpu.region"() ({
      %run_scoped3A = tpu.sem_alloc : memref<!tpu.dma_semaphore, #tpu.memory_space<semaphore_mem>>
      %dma_start3A_77 = arith.constant 0 : i32
      %dma_start3A_78 = tpu.memref_slice %arg8[%add3A, %dma_start3A_77] : memref<20224x64xbf16, #tpu.memory_space<hbm>> -> memref<632x64xbf16, #tpu.memory_space<hbm>>
      %dma_start3A_79 = arith.constant 0 : i32
      %dma_start3A_80 = tpu.memref_slice %arg13[%mul3A_0, %dma_start3A_79] : memref<10112x64xbf16, #tpu.memory_space<vmem_shared>> -> memref<632x64xbf16, #tpu.memory_space<vmem_shared>>
      tpu.enqueue_dma source(%dma_start3A_80 : memref<632x64xbf16, #tpu.memory_space<vmem_shared>>) target(%dma_start3A_78 : memref<632x64xbf16, #tpu.memory_space<hbm>>) target_semaphore(%run_scoped3A : memref<!tpu.dma_semaphore, #tpu.memory_space<semaphore_mem>>)
      %dma_wait3A_81 = arith.constant 0 : i32
      %dma_wait3A_82 = tpu.memref_slice %arg8[%add3A, %dma_wait3A_81] : memref<20224x64xbf16, #tpu.memory_space<hbm>> -> memref<632x64xbf16, #tpu.memory_space<hbm>>
      %dma_wait3A_83 = arith.constant 0 : i32
      %dma_wait3A_84 = tpu.memref_slice %arg13[%mul3A_0, %dma_wait3A_83] : memref<10112x64xbf16, #tpu.memory_space<vmem_shared>> -> memref<632x64xbf16, #tpu.memory_space<vmem_shared>>
      tpu.wait_dma2 semaphore(%run_scoped3A : memref<!tpu.dma_semaphore, #tpu.memory_space<semaphore_mem>>) src(%dma_wait3A_84 : memref<632x64xbf16, #tpu.memory_space<vmem_shared>>) dst(%dma_wait3A_82 : memref<632x64xbf16, #tpu.memory_space<hbm>>)
      tpu.yield
    }) : () -> ()
    return
  }
}

#map = affine_map<(d0, d1) -> (0, 0, 0)>
#map1 = affine_map<(d0, d1) -> (0, 0)>
module attributes {stable_mosaic.version = 14 : i64} {
  func.func @body(%arg0: i32, %arg1: i32, %arg2: memref<2x10000x64xbf16, #tpu.memory_space<hbm>>, %arg3: memref<16x158x128xi32, #tpu.memory_space<hbm>>, %arg4: memref<16x158x128xi32, #tpu.memory_space<hbm>>, %arg5: memref<10112x64xbf16, #tpu.memory_space<hbm>>, %arg6: memref<10112x16xf32, #tpu.memory_space<hbm>>, %arg7: memref<128x16xf32, #tpu.memory_space<hbm>>, %arg8: memref<20224x64xbf16, #tpu.memory_space<hbm>>, %arg9: memref<20224x16xf32, #tpu.memory_space<hbm>>, %arg10: memref<159x128xi32, #tpu.memory_space<vmem>>, %arg11: memref<159x128xi32, #tpu.memory_space<vmem>>, %arg12: memref<128x64xbf16, #tpu.memory_space<vmem>>, %arg13: memref<128x64xbf16, #tpu.memory_space<vmem>>, %arg14: memref<10112x64xbf16, #tpu.memory_space<vmem_shared>>, %arg15: memref<!tpu.dma_semaphore, #tpu.memory_space<semaphore_mem>>, %arg16: memref<!tpu.dma_semaphore, #tpu.memory_space<semaphore_mem>>, %arg17: memref<128x16xf32, #tpu.memory_space<vmem>>, %arg18: memref<10112x16xf32, #tpu.memory_space<vmem_shared>>) attributes {dimension_semantics = [#tpu.dimension_semantics<core_parallel>, #tpu.dimension_semantics<subcore_parallel>], iteration_bounds = array<i64: 2, 16>, scalar_prefetch = 0 : i64, scratch_operands = 9 : i64, tpu.core_type = #tpu.core_type<sc_vector_subcore>, window_params = [{transform_indices = #map}, {transform_indices = #map}, {transform_indices = #map}, {transform_indices = #map1}, {transform_indices = #map1}, {transform_indices = #map1}, {transform_indices = #map1}, {transform_indices = #map1}]} {
    %mul3A = arith.constant 632 : i32
    %mul3A_0 = arith.muli %arg1, %mul3A : i32
    "tpu.region"() ({
      %run_scoped3A = tpu.sem_alloc : memref<!tpu.dma_semaphore, #tpu.memory_space<semaphore_mem>>
      %dma_start3A_80 = arith.constant 0 : i32
      %dma_start3A_81 = tpu.memref_slice %arg14[%mul3A_0, %dma_start3A_80] : memref<10112x64xbf16, #tpu.memory_space<vmem_shared>> -> memref<632x64xbf16, #tpu.memory_space<vmem_shared>>
      %dma_start3A_82 = arith.constant 0 : i32
      %dma_start3A_83 = tpu.memref_slice %arg5[%mul3A_0, %dma_start3A_82] : memref<10112x64xbf16, #tpu.memory_space<hbm>> -> memref<632x64xbf16, #tpu.memory_space<hbm>>
      tpu.enqueue_dma source(%dma_start3A_83 : memref<632x64xbf16, #tpu.memory_space<hbm>>) target(%dma_start3A_81 : memref<632x64xbf16, #tpu.memory_space<vmem_shared>>) target_semaphore(%run_scoped3A : memref<!tpu.dma_semaphore, #tpu.memory_space<semaphore_mem>>)
      %dma_wait3A_84 = arith.constant 0 : i32
      %dma_wait3A_85 = tpu.memref_slice %arg14[%mul3A_0, %dma_wait3A_84] : memref<10112x64xbf16, #tpu.memory_space<vmem_shared>> -> memref<632x64xbf16, #tpu.memory_space<vmem_shared>>
      %dma_wait3A_86 = arith.constant 0 : i32
      %dma_wait3A_87 = tpu.memref_slice %arg5[%mul3A_0, %dma_wait3A_86] : memref<10112x64xbf16, #tpu.memory_space<hbm>> -> memref<632x64xbf16, #tpu.memory_space<hbm>>
      tpu.wait_dma2 semaphore(%run_scoped3A : memref<!tpu.dma_semaphore, #tpu.memory_space<semaphore_mem>>) src(%dma_wait3A_87 : memref<632x64xbf16, #tpu.memory_space<hbm>>) dst(%dma_wait3A_85 : memref<632x64xbf16, #tpu.memory_space<vmem_shared>>)
      tpu.yield
    }) : () -> ()
    "tpu.region"() ({
      %run_scoped3A = tpu.sem_alloc : memref<!tpu.dma_semaphore, #tpu.memory_space<semaphore_mem>>
      %dma_start3A_80 = arith.constant 0 : i32
      %dma_start3A_81 = tpu.memref_slice %arg18[%mul3A_0, %dma_start3A_80] : memref<10112x16xf32, #tpu.memory_space<vmem_shared>> -> memref<632x16xf32, #tpu.memory_space<vmem_shared>>
      %dma_start3A_82 = arith.constant 0 : i32
      %dma_start3A_83 = tpu.memref_slice %arg6[%mul3A_0, %dma_start3A_82] : memref<10112x16xf32, #tpu.memory_space<hbm>> -> memref<632x16xf32, #tpu.memory_space<hbm>>
      tpu.enqueue_dma source(%dma_start3A_83 : memref<632x16xf32, #tpu.memory_space<hbm>>) target(%dma_start3A_81 : memref<632x16xf32, #tpu.memory_space<vmem_shared>>) target_semaphore(%run_scoped3A : memref<!tpu.dma_semaphore, #tpu.memory_space<semaphore_mem>>)
      %dma_wait3A_84 = arith.constant 0 : i32
      %dma_wait3A_85 = tpu.memref_slice %arg18[%mul3A_0, %dma_wait3A_84] : memref<10112x16xf32, #tpu.memory_space<vmem_shared>> -> memref<632x16xf32, #tpu.memory_space<vmem_shared>>
      %dma_wait3A_86 = arith.constant 0 : i32
      %dma_wait3A_87 = tpu.memref_slice %arg6[%mul3A_0, %dma_wait3A_86] : memref<10112x16xf32, #tpu.memory_space<hbm>> -> memref<632x16xf32, #tpu.memory_space<hbm>>
      tpu.wait_dma2 semaphore(%run_scoped3A : memref<!tpu.dma_semaphore, #tpu.memory_space<semaphore_mem>>) src(%dma_wait3A_87 : memref<632x16xf32, #tpu.memory_space<hbm>>) dst(%dma_wait3A_85 : memref<632x16xf32, #tpu.memory_space<vmem_shared>>)
      tpu.yield
    }) : () -> ()
    "tpu.region"() ({
      %run_scoped3A = tpu.sem_alloc : memref<!tpu.dma_semaphore, #tpu.memory_space<semaphore_mem>>
      tpu.enqueue_dma source(%arg7 : memref<128x16xf32, #tpu.memory_space<hbm>>) target(%arg17 : memref<128x16xf32, #tpu.memory_space<vmem>>) target_semaphore(%run_scoped3A : memref<!tpu.dma_semaphore, #tpu.memory_space<semaphore_mem>>)
      tpu.wait_dma2 semaphore(%run_scoped3A : memref<!tpu.dma_semaphore, #tpu.memory_space<semaphore_mem>>) src(%arg7 : memref<128x16xf32, #tpu.memory_space<hbm>>) dst(%arg17 : memref<128x16xf32, #tpu.memory_space<vmem>>)
      tpu.yield
    }) : () -> ()
    "tpu.region"() ({
      %run_scoped3A = tpu.sem_alloc : memref<!tpu.dma_semaphore, #tpu.memory_space<semaphore_mem>>
      %dma_start3A_80 = arith.constant 0 : i32
      %dma_start3A_81 = arith.constant 0 : i32
      %dma_start3A_82 = tpu.memref_slice %arg10[%dma_start3A_80, %dma_start3A_81] : memref<159x128xi32, #tpu.memory_space<vmem>> -> memref<158x128xi32, #tpu.memory_space<vmem>>
      %dma_start3A_83 = arith.constant 0 : i32
      %dma_start3A_84 = arith.constant 0 : i32
      %dma_start3A_85 = tpu.memref_slice %arg3[%arg1, %dma_start3A_83, %dma_start3A_84] : memref<16x158x128xi32, #tpu.memory_space<hbm>> -> memref<1x158x128xi32, #tpu.memory_space<hbm>>
      %dma_start3A_86 = tpu.memref_squeeze %dma_start3A_85 : memref<1x158x128xi32, #tpu.memory_space<hbm>> -> memref<158x128xi32, #tpu.memory_space<hbm>>
      %dma_start3A_87 = arith.constant 0 : i32
      %dma_start3A_88 = arith.constant 0 : i32
      %dma_start3A_89 = tpu.memref_slice %arg10[%dma_start3A_87, %dma_start3A_88] : memref<159x128xi32, #tpu.memory_space<vmem>> -> memref<158x128xi32, #tpu.memory_space<vmem>>
      %dma_start3A_90 = arith.constant 0 : i32
      %dma_start3A_91 = arith.constant 0 : i32
      %dma_start3A_92 = tpu.memref_slice %arg3[%arg1, %dma_start3A_90, %dma_start3A_91] : memref<16x158x128xi32, #tpu.memory_space<hbm>> -> memref<1x158x128xi32, #tpu.memory_space<hbm>>
      %dma_start3A_93 = tpu.memref_squeeze %dma_start3A_92 : memref<1x158x128xi32, #tpu.memory_space<hbm>> -> memref<158x128xi32, #tpu.memory_space<hbm>>
      tpu.enqueue_dma source(%dma_start3A_93 : memref<158x128xi32, #tpu.memory_space<hbm>>) target(%dma_start3A_89 : memref<158x128xi32, #tpu.memory_space<vmem>>) target_semaphore(%run_scoped3A : memref<!tpu.dma_semaphore, #tpu.memory_space<semaphore_mem>>)
      %dma_wait3A_94 = arith.constant 0 : i32
      %dma_wait3A_95 = arith.constant 0 : i32
      %dma_wait3A_96 = tpu.memref_slice %arg10[%dma_wait3A_94, %dma_wait3A_95] : memref<159x128xi32, #tpu.memory_space<vmem>> -> memref<158x128xi32, #tpu.memory_space<vmem>>
      %dma_wait3A_97 = arith.constant 0 : i32
      %dma_wait3A_98 = arith.constant 0 : i32
      %dma_wait3A_99 = tpu.memref_slice %arg3[%arg1, %dma_wait3A_97, %dma_wait3A_98] : memref<16x158x128xi32, #tpu.memory_space<hbm>> -> memref<1x158x128xi32, #tpu.memory_space<hbm>>
      %dma_wait3A_100 = tpu.memref_squeeze %dma_wait3A_99 : memref<1x158x128xi32, #tpu.memory_space<hbm>> -> memref<158x128xi32, #tpu.memory_space<hbm>>
      %dma_wait3A_101 = arith.constant 0 : i32
      %dma_wait3A_102 = arith.constant 0 : i32
      %dma_wait3A_103 = tpu.memref_slice %arg10[%dma_wait3A_101, %dma_wait3A_102] : memref<159x128xi32, #tpu.memory_space<vmem>> -> memref<158x128xi32, #tpu.memory_space<vmem>>
      %dma_wait3A_104 = arith.constant 0 : i32
      %dma_wait3A_105 = arith.constant 0 : i32
      %dma_wait3A_106 = tpu.memref_slice %arg3[%arg1, %dma_wait3A_104, %dma_wait3A_105] : memref<16x158x128xi32, #tpu.memory_space<hbm>> -> memref<1x158x128xi32, #tpu.memory_space<hbm>>
      %dma_wait3A_107 = tpu.memref_squeeze %dma_wait3A_106 : memref<1x158x128xi32, #tpu.memory_space<hbm>> -> memref<158x128xi32, #tpu.memory_space<hbm>>
      tpu.wait_dma2 semaphore(%run_scoped3A : memref<!tpu.dma_semaphore, #tpu.memory_space<semaphore_mem>>) src(%dma_wait3A_107 : memref<158x128xi32, #tpu.memory_space<hbm>>) dst(%dma_wait3A_103 : memref<158x128xi32, #tpu.memory_space<vmem>>)
      tpu.yield
    }) : () -> ()
    "tpu.region"() ({
      %run_scoped3A = tpu.sem_alloc : memref<!tpu.dma_semaphore, #tpu.memory_space<semaphore_mem>>
      %dma_start3A_80 = arith.constant 0 : i32
      %dma_start3A_81 = arith.constant 0 : i32
      %dma_start3A_82 = tpu.memref_slice %arg11[%dma_start3A_80, %dma_start3A_81] : memref<159x128xi32, #tpu.memory_space<vmem>> -> memref<158x128xi32, #tpu.memory_space<vmem>>
      %dma_start3A_83 = arith.constant 0 : i32
      %dma_start3A_84 = arith.constant 0 : i32
      %dma_start3A_85 = tpu.memref_slice %arg4[%arg1, %dma_start3A_83, %dma_start3A_84] : memref<16x158x128xi32, #tpu.memory_space<hbm>> -> memref<1x158x128xi32, #tpu.memory_space<hbm>>
      %dma_start3A_86 = tpu.memref_squeeze %dma_start3A_85 : memref<1x158x128xi32, #tpu.memory_space<hbm>> -> memref<158x128xi32, #tpu.memory_space<hbm>>
      %dma_start3A_87 = arith.constant 0 : i32
      %dma_start3A_88 = arith.constant 0 : i32
      %dma_start3A_89 = tpu.memref_slice %arg11[%dma_start3A_87, %dma_start3A_88] : memref<159x128xi32, #tpu.memory_space<vmem>> -> memref<158x128xi32, #tpu.memory_space<vmem>>
      %dma_start3A_90 = arith.constant 0 : i32
      %dma_start3A_91 = arith.constant 0 : i32
      %dma_start3A_92 = tpu.memref_slice %arg4[%arg1, %dma_start3A_90, %dma_start3A_91] : memref<16x158x128xi32, #tpu.memory_space<hbm>> -> memref<1x158x128xi32, #tpu.memory_space<hbm>>
      %dma_start3A_93 = tpu.memref_squeeze %dma_start3A_92 : memref<1x158x128xi32, #tpu.memory_space<hbm>> -> memref<158x128xi32, #tpu.memory_space<hbm>>
      tpu.enqueue_dma source(%dma_start3A_93 : memref<158x128xi32, #tpu.memory_space<hbm>>) target(%dma_start3A_89 : memref<158x128xi32, #tpu.memory_space<vmem>>) target_semaphore(%run_scoped3A : memref<!tpu.dma_semaphore, #tpu.memory_space<semaphore_mem>>)
      %dma_wait3A_94 = arith.constant 0 : i32
      %dma_wait3A_95 = arith.constant 0 : i32
      %dma_wait3A_96 = tpu.memref_slice %arg11[%dma_wait3A_94, %dma_wait3A_95] : memref<159x128xi32, #tpu.memory_space<vmem>> -> memref<158x128xi32, #tpu.memory_space<vmem>>
      %dma_wait3A_97 = arith.constant 0 : i32
      %dma_wait3A_98 = arith.constant 0 : i32
      %dma_wait3A_99 = tpu.memref_slice %arg4[%arg1, %dma_wait3A_97, %dma_wait3A_98] : memref<16x158x128xi32, #tpu.memory_space<hbm>> -> memref<1x158x128xi32, #tpu.memory_space<hbm>>
      %dma_wait3A_100 = tpu.memref_squeeze %dma_wait3A_99 : memref<1x158x128xi32, #tpu.memory_space<hbm>> -> memref<158x128xi32, #tpu.memory_space<hbm>>
      %dma_wait3A_101 = arith.constant 0 : i32
      %dma_wait3A_102 = arith.constant 0 : i32
      %dma_wait3A_103 = tpu.memref_slice %arg11[%dma_wait3A_101, %dma_wait3A_102] : memref<159x128xi32, #tpu.memory_space<vmem>> -> memref<158x128xi32, #tpu.memory_space<vmem>>
      %dma_wait3A_104 = arith.constant 0 : i32
      %dma_wait3A_105 = arith.constant 0 : i32
      %dma_wait3A_106 = tpu.memref_slice %arg4[%arg1, %dma_wait3A_104, %dma_wait3A_105] : memref<16x158x128xi32, #tpu.memory_space<hbm>> -> memref<1x158x128xi32, #tpu.memory_space<hbm>>
      %dma_wait3A_107 = tpu.memref_squeeze %dma_wait3A_106 : memref<1x158x128xi32, #tpu.memory_space<hbm>> -> memref<158x128xi32, #tpu.memory_space<hbm>>
      tpu.wait_dma2 semaphore(%run_scoped3A : memref<!tpu.dma_semaphore, #tpu.memory_space<semaphore_mem>>) src(%dma_wait3A_107 : memref<158x128xi32, #tpu.memory_space<hbm>>) dst(%dma_wait3A_103 : memref<158x128xi32, #tpu.memory_space<vmem>>)
      tpu.yield
    }) : () -> ()
    %broadcast_in_dim3A = arith.constant 0 : i32
    %broadcast_in_dim3A_1 = vector.broadcast %broadcast_in_dim3A : i32 to vector<16xi32>
    %swap3A = arith.constant 158 : i32
    %swap3A_2 = arith.index_cast %swap3A : i32 to index
    %swap3A_3 = arith.constant 0 : index
    %swap3A_4 = tpu.vector_load %arg10[%swap3A_2, %swap3A_3] {strides = array<i32>} : memref<159x128xi32, #tpu.memory_space<vmem>>, vector<1x16xi32>,
    %swap3A_5 = vector.shape_cast %swap3A_4 : vector<1x16xi32> to vector<16xi32>
    %swap3A_6 = vector.shape_cast %broadcast_in_dim3A_1 : vector<16xi32> to vector<1x16xi32>
    tpu.vector_store %arg10[%swap3A_2, %swap3A_3], %swap3A_6 {strides = array<i32>} : memref<159x128xi32, #tpu.memory_space<vmem>>, vector<1x16xi32>,
    %swap3A_7 = arith.constant 158 : i32
    %swap3A_8 = arith.index_cast %swap3A_7 : i32 to index
    %swap3A_9 = arith.constant 16 : index
    %swap3A_10 = tpu.vector_load %arg10[%swap3A_8, %swap3A_9] {strides = array<i32>} : memref<159x128xi32, #tpu.memory_space<vmem>>, vector<1x16xi32>,
    %swap3A_11 = vector.shape_cast %swap3A_10 : vector<1x16xi32> to vector<16xi32>
    %swap3A_12 = vector.shape_cast %broadcast_in_dim3A_1 : vector<16xi32> to vector<1x16xi32>
    tpu.vector_store %arg10[%swap3A_8, %swap3A_9], %swap3A_12 {strides = array<i32>} : memref<159x128xi32, #tpu.memory_space<vmem>>, vector<1x16xi32>,
    %swap3A_13 = arith.constant 158 : i32
    %swap3A_14 = arith.index_cast %swap3A_13 : i32 to index
    %swap3A_15 = arith.constant 32 : index
    %swap3A_16 = tpu.vector_load %arg10[%swap3A_14, %swap3A_15] {strides = array<i32>} : memref<159x128xi32, #tpu.memory_space<vmem>>, vector<1x16xi32>,
    %swap3A_17 = vector.shape_cast %swap3A_16 : vector<1x16xi32> to vector<16xi32>
    %swap3A_18 = vector.shape_cast %broadcast_in_dim3A_1 : vector<16xi32> to vector<1x16xi32>
    tpu.vector_store %arg10[%swap3A_14, %swap3A_15], %swap3A_18 {strides = array<i32>} : memref<159x128xi32, #tpu.memory_space<vmem>>, vector<1x16xi32>,
    %swap3A_19 = arith.constant 158 : i32
    %swap3A_20 = arith.index_cast %swap3A_19 : i32 to index
    %swap3A_21 = arith.constant 48 : index
    %swap3A_22 = tpu.vector_load %arg10[%swap3A_20, %swap3A_21] {strides = array<i32>} : memref<159x128xi32, #tpu.memory_space<vmem>>, vector<1x16xi32>,
    %swap3A_23 = vector.shape_cast %swap3A_22 : vector<1x16xi32> to vector<16xi32>
    %swap3A_24 = vector.shape_cast %broadcast_in_dim3A_1 : vector<16xi32> to vector<1x16xi32>
    tpu.vector_store %arg10[%swap3A_20, %swap3A_21], %swap3A_24 {strides = array<i32>} : memref<159x128xi32, #tpu.memory_space<vmem>>, vector<1x16xi32>,
    %swap3A_25 = arith.constant 158 : i32
    %swap3A_26 = arith.index_cast %swap3A_25 : i32 to index
    %swap3A_27 = arith.constant 64 : index
    %swap3A_28 = tpu.vector_load %arg10[%swap3A_26, %swap3A_27] {strides = array<i32>} : memref<159x128xi32, #tpu.memory_space<vmem>>, vector<1x16xi32>,
    %swap3A_29 = vector.shape_cast %swap3A_28 : vector<1x16xi32> to vector<16xi32>
    %swap3A_30 = vector.shape_cast %broadcast_in_dim3A_1 : vector<16xi32> to vector<1x16xi32>
    tpu.vector_store %arg10[%swap3A_26, %swap3A_27], %swap3A_30 {strides = array<i32>} : memref<159x128xi32, #tpu.memory_space<vmem>>, vector<1x16xi32>,
    %swap3A_31 = arith.constant 158 : i32
    %swap3A_32 = arith.index_cast %swap3A_31 : i32 to index
    %swap3A_33 = arith.constant 80 : index
    %swap3A_34 = tpu.vector_load %arg10[%swap3A_32, %swap3A_33] {strides = array<i32>} : memref<159x128xi32, #tpu.memory_space<vmem>>, vector<1x16xi32>,
    %swap3A_35 = vector.shape_cast %swap3A_34 : vector<1x16xi32> to vector<16xi32>
    %swap3A_36 = vector.shape_cast %broadcast_in_dim3A_1 : vector<16xi32> to vector<1x16xi32>
    tpu.vector_store %arg10[%swap3A_32, %swap3A_33], %swap3A_36 {strides = array<i32>} : memref<159x128xi32, #tpu.memory_space<vmem>>, vector<1x16xi32>,
    %swap3A_37 = arith.constant 158 : i32
    %swap3A_38 = arith.index_cast %swap3A_37 : i32 to index
    %swap3A_39 = arith.constant 96 : index
    %swap3A_40 = tpu.vector_load %arg10[%swap3A_38, %swap3A_39] {strides = array<i32>} : memref<159x128xi32, #tpu.memory_space<vmem>>, vector<1x16xi32>,
    %swap3A_41 = vector.shape_cast %swap3A_40 : vector<1x16xi32> to vector<16xi32>
    %swap3A_42 = vector.shape_cast %broadcast_in_dim3A_1 : vector<16xi32> to vector<1x16xi32>
    tpu.vector_store %arg10[%swap3A_38, %swap3A_39], %swap3A_42 {strides = array<i32>} : memref<159x128xi32, #tpu.memory_space<vmem>>, vector<1x16xi32>,
    %swap3A_43 = arith.constant 158 : i32
    %swap3A_44 = arith.index_cast %swap3A_43 : i32 to index
    %swap3A_45 = arith.constant 112 : index
    %swap3A_46 = tpu.vector_load %arg10[%swap3A_44, %swap3A_45] {strides = array<i32>} : memref<159x128xi32, #tpu.memory_space<vmem>>, vector<1x16xi32>,
    %swap3A_47 = vector.shape_cast %swap3A_46 : vector<1x16xi32> to vector<16xi32>
    %swap3A_48 = vector.shape_cast %broadcast_in_dim3A_1 : vector<16xi32> to vector<1x16xi32>
    tpu.vector_store %arg10[%swap3A_44, %swap3A_45], %swap3A_48 {strides = array<i32>} : memref<159x128xi32, #tpu.memory_space<vmem>>, vector<1x16xi32>,
    %barrier3A = arith.constant 0 : index
    tpu.barrier barrier_id(%barrier3A)
    %dma_start3A = arith.constant 0 : i32
    %dma_start3A_49 = arith.constant 0 : i32
    %dma_start3A_50 = tpu.memref_slice %arg10[%dma_start3A, %dma_start3A_49] : memref<159x128xi32, #tpu.memory_space<vmem>> -> memref<1x128xi32, #tpu.memory_space<vmem>>
    %dma_start3A_51 = tpu.memref_squeeze %dma_start3A_50 : memref<1x128xi32, #tpu.memory_space<vmem>> -> memref<128xi32, #tpu.memory_space<vmem>>
    %dma_start3A_52 = arith.constant 0 : i32
    %dma_start3A_53 = arith.constant 0 : i32
    %dma_start3A_54 = tpu.memref_slice %arg2[%arg0, %dma_start3A_52, %dma_start3A_53] : memref<2x10000x64xbf16, #tpu.memory_space<hbm>> -> memref<1x10000x64xbf16, #tpu.memory_space<hbm>>
    %dma_start3A_55 = tpu.memref_squeeze %dma_start3A_54 : memref<1x10000x64xbf16, #tpu.memory_space<hbm>> -> memref<10000x64xbf16, #tpu.memory_space<hbm>>
    %dma_start3A_56 = arith.constant 0 : i32
    %dma_start3A_57 = arith.constant 0 : i32
    %dma_start3A_58 = tpu.memref_slice %dma_start3A_55[%dma_start3A_56, %dma_start3A_57] : memref<10000x64xbf16, #tpu.memory_space<hbm>> -> memref<10000x64xbf16, #tpu.memory_space<hbm>>
    tpu.enqueue_indirect_dma source(%dma_start3A_58 : memref<10000x64xbf16, #tpu.memory_space<hbm>>) target(%arg12 : memref<128x64xbf16, #tpu.memory_space<vmem>>) offsets(%dma_start3A_51 : memref<128xi32, #tpu.memory_space<vmem>>) semaphore(%arg15 : memref<!tpu.dma_semaphore, #tpu.memory_space<semaphore_mem>>)
    %scan3A = arith.constant 0 : i32
    %scan3A_59 = arith.constant 0 : i32
    %scan3A_60 = arith.constant 79 : i32
    %scan3A_61 = arith.addi %scan3A_59, %scan3A_60 : i32
    %scan3A_62 = arith.constant 1 : i32
    scf.for %scan3A_80 = %scan3A_59 to %scan3A_61 step %scan3A_62  : i32 {
      %mul3A_81 = arith.constant 2 : i32
      %mul3A_82 = arith.muli %mul3A_81, %scan3A_80 : i32
      %add3A_83 = arith.constant 1 : i32
      %add3A_84 = arith.addi %mul3A_82, %add3A_83 : i32
      %dma_start3A_85 = arith.constant 0 : i32
      %dma_start3A_86 = tpu.memref_slice %arg10[%add3A_84, %dma_start3A_85] : memref<159x128xi32, #tpu.memory_space<vmem>> -> memref<1x128xi32, #tpu.memory_space<vmem>>
      %dma_start3A_87 = tpu.memref_squeeze %dma_start3A_86 : memref<1x128xi32, #tpu.memory_space<vmem>> -> memref<128xi32, #tpu.memory_space<vmem>>
      %dma_start3A_88 = arith.constant 0 : i32
      %dma_start3A_89 = arith.constant 0 : i32
      %dma_start3A_90 = tpu.memref_slice %arg2[%arg0, %dma_start3A_88, %dma_start3A_89] : memref<2x10000x64xbf16, #tpu.memory_space<hbm>> -> memref<1x10000x64xbf16, #tpu.memory_space<hbm>>
      %dma_start3A_91 = tpu.memref_squeeze %dma_start3A_90 : memref<1x10000x64xbf16, #tpu.memory_space<hbm>> -> memref<10000x64xbf16, #tpu.memory_space<hbm>>
      %dma_start3A_92 = arith.constant 0 : i32
      %dma_start3A_93 = arith.constant 0 : i32
      %dma_start3A_94 = tpu.memref_slice %dma_start3A_91[%dma_start3A_92, %dma_start3A_93] : memref<10000x64xbf16, #tpu.memory_space<hbm>> -> memref<10000x64xbf16, #tpu.memory_space<hbm>>
      tpu.enqueue_indirect_dma source(%dma_start3A_94 : memref<10000x64xbf16, #tpu.memory_space<hbm>>) target(%arg13 : memref<128x64xbf16, #tpu.memory_space<vmem>>) offsets(%dma_start3A_87 : memref<128xi32, #tpu.memory_space<vmem>>) semaphore(%arg16 : memref<!tpu.dma_semaphore, #tpu.memory_space<semaphore_mem>>)
      %mul3A_95 = arith.constant 2 : i32
      %mul3A_96 = arith.muli %mul3A_95, %scan3A_80 : i32
      %dma_wait3A_97 = arith.constant 0 : i32
      %dma_wait3A_98 = tpu.memref_slice %arg10[%mul3A_96, %dma_wait3A_97] : memref<159x128xi32, #tpu.memory_space<vmem>> -> memref<1x128xi32, #tpu.memory_space<vmem>>
      %dma_wait3A_99 = tpu.memref_squeeze %dma_wait3A_98 : memref<1x128xi32, #tpu.memory_space<vmem>> -> memref<128xi32, #tpu.memory_space<vmem>>
      %dma_wait3A_100 = arith.constant 0 : i32
      %dma_wait3A_101 = arith.constant 0 : i32
      %dma_wait3A_102 = tpu.memref_slice %arg2[%arg0, %dma_wait3A_100, %dma_wait3A_101] : memref<2x10000x64xbf16, #tpu.memory_space<hbm>> -> memref<1x10000x64xbf16, #tpu.memory_space<hbm>>
      %dma_wait3A_103 = tpu.memref_squeeze %dma_wait3A_102 : memref<1x10000x64xbf16, #tpu.memory_space<hbm>> -> memref<10000x64xbf16, #tpu.memory_space<hbm>>
      %dma_wait3A_104 = arith.constant 0 : i32
      %dma_wait3A_105 = arith.constant 0 : i32
      %dma_wait3A_106 = tpu.memref_slice %dma_wait3A_103[%dma_wait3A_104, %dma_wait3A_105] : memref<10000x64xbf16, #tpu.memory_space<hbm>> -> memref<10000x64xbf16, #tpu.memory_space<hbm>>
      tpu.wait_indirect_dma semaphore(%arg15 : memref<!tpu.dma_semaphore, #tpu.memory_space<semaphore_mem>>) src(%dma_wait3A_106 : memref<10000x64xbf16, #tpu.memory_space<hbm>>) dst(%arg12 : memref<128x64xbf16, #tpu.memory_space<vmem>>)
      "tpu.region"() ({
        %run_scoped3A = tpu.sem_alloc : memref<!tpu.dma_semaphore, #tpu.memory_space<semaphore_mem>>
        %dma_start3A_142 = arith.constant 0 : i32
        %dma_start3A_143 = tpu.memref_slice %arg11[%mul3A_96, %dma_start3A_142] : memref<159x128xi32, #tpu.memory_space<vmem>> -> memref<1x128xi32, #tpu.memory_space<vmem>>
        %dma_start3A_144 = tpu.memref_squeeze %dma_start3A_143 : memref<1x128xi32, #tpu.memory_space<vmem>> -> memref<128xi32, #tpu.memory_space<vmem>>
        %dma_start3A_145 = arith.constant 0 : i32
        %dma_start3A_146 = arith.constant 0 : i32
        %dma_start3A_147 = tpu.memref_slice %arg14[%dma_start3A_145, %dma_start3A_146] : memref<10112x64xbf16, #tpu.memory_space<vmem_shared>> -> memref<10112x64xbf16, #tpu.memory_space<vmem_shared>>
        tpu.enqueue_indirect_dma source(%arg12 : memref<128x64xbf16, #tpu.memory_space<vmem>>) target(%dma_start3A_147 : memref<10112x64xbf16, #tpu.memory_space<vmem_shared>>) offsets(%dma_start3A_144 : memref<128xi32, #tpu.memory_space<vmem>>) semaphore(%run_scoped3A : memref<!tpu.dma_semaphore, #tpu.memory_space<semaphore_mem>>) {add = true}
        %dma_wait3A_148 = arith.constant 0 : i32
        %dma_wait3A_149 = tpu.memref_slice %arg11[%mul3A_96, %dma_wait3A_148] : memref<159x128xi32, #tpu.memory_space<vmem>> -> memref<1x128xi32, #tpu.memory_space<vmem>>
        %dma_wait3A_150 = tpu.memref_squeeze %dma_wait3A_149 : memref<1x128xi32, #tpu.memory_space<vmem>> -> memref<128xi32, #tpu.memory_space<vmem>>
        %dma_wait3A_151 = arith.constant 0 : i32
        %dma_wait3A_152 = arith.constant 0 : i32
        %dma_wait3A_153 = tpu.memref_slice %arg14[%dma_wait3A_151, %dma_wait3A_152] : memref<10112x64xbf16, #tpu.memory_space<vmem_shared>> -> memref<10112x64xbf16, #tpu.memory_space<vmem_shared>>
        tpu.wait_indirect_dma semaphore(%run_scoped3A : memref<!tpu.dma_semaphore, #tpu.memory_space<semaphore_mem>>) src(%arg12 : memref<128x64xbf16, #tpu.memory_space<vmem>>) dst(%dma_wait3A_153 : memref<10112x64xbf16, #tpu.memory_space<vmem_shared>>)
        tpu.yield
      }) : () -> ()
      %eq3A = arith.constant 0 : i32
      %eq3A_107 = arith.cmpi eq, %arg0, %eq3A : i32
      %convert_element_type3A = arith.extui %eq3A_107 : i1 to i32
      %cond3A = arith.constant 0 : i32
      %cond3A_108 = arith.cmpi ne, %convert_element_type3A, %cond3A : i32
      scf.if %cond3A_108 {
        "tpu.region"() ({
          %run_scoped3A = tpu.sem_alloc : memref<!tpu.dma_semaphore, #tpu.memory_space<semaphore_mem>>
          %dma_start3A_142 = arith.constant 0 : i32
          %dma_start3A_143 = tpu.memref_slice %arg11[%mul3A_96, %dma_start3A_142] : memref<159x128xi32, #tpu.memory_space<vmem>> -> memref<1x128xi32, #tpu.memory_space<vmem>>
          %dma_start3A_144 = tpu.memref_squeeze %dma_start3A_143 : memref<1x128xi32, #tpu.memory_space<vmem>> -> memref<128xi32, #tpu.memory_space<vmem>>
          %dma_start3A_145 = arith.constant 0 : i32
          %dma_start3A_146 = arith.constant 0 : i32
          %dma_start3A_147 = tpu.memref_slice %arg18[%dma_start3A_145, %dma_start3A_146] : memref<10112x16xf32, #tpu.memory_space<vmem_shared>> -> memref<10112x16xf32, #tpu.memory_space<vmem_shared>>
          tpu.enqueue_indirect_dma source(%arg17 : memref<128x16xf32, #tpu.memory_space<vmem>>) target(%dma_start3A_147 : memref<10112x16xf32, #tpu.memory_space<vmem_shared>>) offsets(%dma_start3A_144 : memref<128xi32, #tpu.memory_space<vmem>>) semaphore(%run_scoped3A : memref<!tpu.dma_semaphore, #tpu.memory_space<semaphore_mem>>) {add = true}
          %dma_wait3A_148 = arith.constant 0 : i32
          %dma_wait3A_149 = tpu.memref_slice %arg11[%mul3A_96, %dma_wait3A_148] : memref<159x128xi32, #tpu.memory_space<vmem>> -> memref<1x128xi32, #tpu.memory_space<vmem>>
          %dma_wait3A_150 = tpu.memref_squeeze %dma_wait3A_149 : memref<1x128xi32, #tpu.memory_space<vmem>> -> memref<128xi32, #tpu.memory_space<vmem>>
          %dma_wait3A_151 = arith.constant 0 : i32
          %dma_wait3A_152 = arith.constant 0 : i32
          %dma_wait3A_153 = tpu.memref_slice %arg18[%dma_wait3A_151, %dma_wait3A_152] : memref<10112x16xf32, #tpu.memory_space<vmem_shared>> -> memref<10112x16xf32, #tpu.memory_space<vmem_shared>>
          tpu.wait_indirect_dma semaphore(%run_scoped3A : memref<!tpu.dma_semaphore, #tpu.memory_space<semaphore_mem>>) src(%arg17 : memref<128x16xf32, #tpu.memory_space<vmem>>) dst(%dma_wait3A_153 : memref<10112x16xf32, #tpu.memory_space<vmem_shared>>)
          tpu.yield
        }) : () -> ()
      } else {
      }
      %mul3A_109 = arith.constant 2 : i32
      %mul3A_110 = arith.muli %mul3A_109, %scan3A_80 : i32
      %add3A_111 = arith.constant 2 : i32
      %add3A_112 = arith.addi %mul3A_110, %add3A_111 : i32
      %dma_start3A_113 = arith.constant 0 : i32
      %dma_start3A_114 = tpu.memref_slice %arg10[%add3A_112, %dma_start3A_113] : memref<159x128xi32, #tpu.memory_space<vmem>> -> memref<1x128xi32, #tpu.memory_space<vmem>>
      %dma_start3A_115 = tpu.memref_squeeze %dma_start3A_114 : memref<1x128xi32, #tpu.memory_space<vmem>> -> memref<128xi32, #tpu.memory_space<vmem>>
      %dma_start3A_116 = arith.constant 0 : i32
      %dma_start3A_117 = arith.constant 0 : i32
      %dma_start3A_118 = tpu.memref_slice %arg2[%arg0, %dma_start3A_116, %dma_start3A_117] : memref<2x10000x64xbf16, #tpu.memory_space<hbm>> -> memref<1x10000x64xbf16, #tpu.memory_space<hbm>>
      %dma_start3A_119 = tpu.memref_squeeze %dma_start3A_118 : memref<1x10000x64xbf16, #tpu.memory_space<hbm>> -> memref<10000x64xbf16, #tpu.memory_space<hbm>>
      %dma_start3A_120 = arith.constant 0 : i32
      %dma_start3A_121 = arith.constant 0 : i32
      %dma_start3A_122 = tpu.memref_slice %dma_start3A_119[%dma_start3A_120, %dma_start3A_121] : memref<10000x64xbf16, #tpu.memory_space<hbm>> -> memref<10000x64xbf16, #tpu.memory_space<hbm>>
      tpu.enqueue_indirect_dma source(%dma_start3A_122 : memref<10000x64xbf16, #tpu.memory_space<hbm>>) target(%arg12 : memref<128x64xbf16, #tpu.memory_space<vmem>>) offsets(%dma_start3A_115 : memref<128xi32, #tpu.memory_space<vmem>>) semaphore(%arg15 : memref<!tpu.dma_semaphore, #tpu.memory_space<semaphore_mem>>)
      %mul3A_123 = arith.constant 2 : i32
      %mul3A_124 = arith.muli %mul3A_123, %scan3A_80 : i32
      %add3A_125 = arith.constant 1 : i32
      %add3A_126 = arith.addi %mul3A_124, %add3A_125 : i32
      %dma_wait3A_127 = arith.constant 0 : i32
      %dma_wait3A_128 = tpu.memref_slice %arg10[%add3A_126, %dma_wait3A_127] : memref<159x128xi32, #tpu.memory_space<vmem>> -> memref<1x128xi32, #tpu.memory_space<vmem>>
      %dma_wait3A_129 = tpu.memref_squeeze %dma_wait3A_128 : memref<1x128xi32, #tpu.memory_space<vmem>> -> memref<128xi32, #tpu.memory_space<vmem>>
      %dma_wait3A_130 = arith.constant 0 : i32
      %dma_wait3A_131 = arith.constant 0 : i32
      %dma_wait3A_132 = tpu.memref_slice %arg2[%arg0, %dma_wait3A_130, %dma_wait3A_131] : memref<2x10000x64xbf16, #tpu.memory_space<hbm>> -> memref<1x10000x64xbf16, #tpu.memory_space<hbm>>
      %dma_wait3A_133 = tpu.memref_squeeze %dma_wait3A_132 : memref<1x10000x64xbf16, #tpu.memory_space<hbm>> -> memref<10000x64xbf16, #tpu.memory_space<hbm>>
      %dma_wait3A_134 = arith.constant 0 : i32
      %dma_wait3A_135 = arith.constant 0 : i32
      %dma_wait3A_136 = tpu.memref_slice %dma_wait3A_133[%dma_wait3A_134, %dma_wait3A_135] : memref<10000x64xbf16, #tpu.memory_space<hbm>> -> memref<10000x64xbf16, #tpu.memory_space<hbm>>
      tpu.wait_indirect_dma semaphore(%arg16 : memref<!tpu.dma_semaphore, #tpu.memory_space<semaphore_mem>>) src(%dma_wait3A_136 : memref<10000x64xbf16, #tpu.memory_space<hbm>>) dst(%arg13 : memref<128x64xbf16, #tpu.memory_space<vmem>>)
      "tpu.region"() ({
        %run_scoped3A = tpu.sem_alloc : memref<!tpu.dma_semaphore, #tpu.memory_space<semaphore_mem>>
        %dma_start3A_142 = arith.constant 0 : i32
        %dma_start3A_143 = tpu.memref_slice %arg11[%add3A_126, %dma_start3A_142] : memref<159x128xi32, #tpu.memory_space<vmem>> -> memref<1x128xi32, #tpu.memory_space<vmem>>
        %dma_start3A_144 = tpu.memref_squeeze %dma_start3A_143 : memref<1x128xi32, #tpu.memory_space<vmem>> -> memref<128xi32, #tpu.memory_space<vmem>>
        %dma_start3A_145 = arith.constant 0 : i32
        %dma_start3A_146 = arith.constant 0 : i32
        %dma_start3A_147 = tpu.memref_slice %arg14[%dma_start3A_145, %dma_start3A_146] : memref<10112x64xbf16, #tpu.memory_space<vmem_shared>> -> memref<10112x64xbf16, #tpu.memory_space<vmem_shared>>
        tpu.enqueue_indirect_dma source(%arg13 : memref<128x64xbf16, #tpu.memory_space<vmem>>) target(%dma_start3A_147 : memref<10112x64xbf16, #tpu.memory_space<vmem_shared>>) offsets(%dma_start3A_144 : memref<128xi32, #tpu.memory_space<vmem>>) semaphore(%run_scoped3A : memref<!tpu.dma_semaphore, #tpu.memory_space<semaphore_mem>>) {add = true}
        %dma_wait3A_148 = arith.constant 0 : i32
        %dma_wait3A_149 = tpu.memref_slice %arg11[%add3A_126, %dma_wait3A_148] : memref<159x128xi32, #tpu.memory_space<vmem>> -> memref<1x128xi32, #tpu.memory_space<vmem>>
        %dma_wait3A_150 = tpu.memref_squeeze %dma_wait3A_149 : memref<1x128xi32, #tpu.memory_space<vmem>> -> memref<128xi32, #tpu.memory_space<vmem>>
        %dma_wait3A_151 = arith.constant 0 : i32
        %dma_wait3A_152 = arith.constant 0 : i32
        %dma_wait3A_153 = tpu.memref_slice %arg14[%dma_wait3A_151, %dma_wait3A_152] : memref<10112x64xbf16, #tpu.memory_space<vmem_shared>> -> memref<10112x64xbf16, #tpu.memory_space<vmem_shared>>
        tpu.wait_indirect_dma semaphore(%run_scoped3A : memref<!tpu.dma_semaphore, #tpu.memory_space<semaphore_mem>>) src(%arg13 : memref<128x64xbf16, #tpu.memory_space<vmem>>) dst(%dma_wait3A_153 : memref<10112x64xbf16, #tpu.memory_space<vmem_shared>>)
        tpu.yield
      }) : () -> ()
      %eq3A_137 = arith.constant 1 : i32
      %eq3A_138 = arith.cmpi eq, %arg0, %eq3A_137 : i32
      %convert_element_type3A_139 = arith.extui %eq3A_138 : i1 to i32
      %cond3A_140 = arith.constant 0 : i32
      %cond3A_141 = arith.cmpi ne, %convert_element_type3A_139, %cond3A_140 : i32
      scf.if %cond3A_141 {
        "tpu.region"() ({
          %run_scoped3A = tpu.sem_alloc : memref<!tpu.dma_semaphore, #tpu.memory_space<semaphore_mem>>
          %dma_start3A_142 = arith.constant 0 : i32
          %dma_start3A_143 = tpu.memref_slice %arg11[%add3A_126, %dma_start3A_142] : memref<159x128xi32, #tpu.memory_space<vmem>> -> memref<1x128xi32, #tpu.memory_space<vmem>>
          %dma_start3A_144 = tpu.memref_squeeze %dma_start3A_143 : memref<1x128xi32, #tpu.memory_space<vmem>> -> memref<128xi32, #tpu.memory_space<vmem>>
          %dma_start3A_145 = arith.constant 0 : i32
          %dma_start3A_146 = arith.constant 0 : i32
          %dma_start3A_147 = tpu.memref_slice %arg18[%dma_start3A_145, %dma_start3A_146] : memref<10112x16xf32, #tpu.memory_space<vmem_shared>> -> memref<10112x16xf32, #tpu.memory_space<vmem_shared>>
          tpu.enqueue_indirect_dma source(%arg17 : memref<128x16xf32, #tpu.memory_space<vmem>>) target(%dma_start3A_147 : memref<10112x16xf32, #tpu.memory_space<vmem_shared>>) offsets(%dma_start3A_144 : memref<128xi32, #tpu.memory_space<vmem>>) semaphore(%run_scoped3A : memref<!tpu.dma_semaphore, #tpu.memory_space<semaphore_mem>>) {add = true}
          %dma_wait3A_148 = arith.constant 0 : i32
          %dma_wait3A_149 = tpu.memref_slice %arg11[%add3A_126, %dma_wait3A_148] : memref<159x128xi32, #tpu.memory_space<vmem>> -> memref<1x128xi32, #tpu.memory_space<vmem>>
          %dma_wait3A_150 = tpu.memref_squeeze %dma_wait3A_149 : memref<1x128xi32, #tpu.memory_space<vmem>> -> memref<128xi32, #tpu.memory_space<vmem>>
          %dma_wait3A_151 = arith.constant 0 : i32
          %dma_wait3A_152 = arith.constant 0 : i32
          %dma_wait3A_153 = tpu.memref_slice %arg18[%dma_wait3A_151, %dma_wait3A_152] : memref<10112x16xf32, #tpu.memory_space<vmem_shared>> -> memref<10112x16xf32, #tpu.memory_space<vmem_shared>>
          tpu.wait_indirect_dma semaphore(%run_scoped3A : memref<!tpu.dma_semaphore, #tpu.memory_space<semaphore_mem>>) src(%arg17 : memref<128x16xf32, #tpu.memory_space<vmem>>) dst(%dma_wait3A_153 : memref<10112x16xf32, #tpu.memory_space<vmem_shared>>)
          tpu.yield
        }) : () -> ()
      } else {
      }
    }
    %scan3A_63 = arith.constant 79 : i32
    %dma_wait3A = arith.constant 158 : i32
    %dma_wait3A_64 = arith.constant 0 : i32
    %dma_wait3A_65 = tpu.memref_slice %arg10[%dma_wait3A, %dma_wait3A_64] : memref<159x128xi32, #tpu.memory_space<vmem>> -> memref<1x128xi32, #tpu.memory_space<vmem>>
    %dma_wait3A_66 = tpu.memref_squeeze %dma_wait3A_65 : memref<1x128xi32, #tpu.memory_space<vmem>> -> memref<128xi32, #tpu.memory_space<vmem>>
    %dma_wait3A_67 = arith.constant 0 : i32
    %dma_wait3A_68 = arith.constant 0 : i32
    %dma_wait3A_69 = tpu.memref_slice %arg2[%arg0, %dma_wait3A_67, %dma_wait3A_68] : memref<2x10000x64xbf16, #tpu.memory_space<hbm>> -> memref<1x10000x64xbf16, #tpu.memory_space<hbm>>
    %dma_wait3A_70 = tpu.memref_squeeze %dma_wait3A_69 : memref<1x10000x64xbf16, #tpu.memory_space<hbm>> -> memref<10000x64xbf16, #tpu.memory_space<hbm>>
    %dma_wait3A_71 = arith.constant 0 : i32
    %dma_wait3A_72 = arith.constant 0 : i32
    %dma_wait3A_73 = tpu.memref_slice %dma_wait3A_70[%dma_wait3A_71, %dma_wait3A_72] : memref<10000x64xbf16, #tpu.memory_space<hbm>> -> memref<10000x64xbf16, #tpu.memory_space<hbm>>
    tpu.wait_indirect_dma semaphore(%arg15 : memref<!tpu.dma_semaphore, #tpu.memory_space<semaphore_mem>>) src(%dma_wait3A_73 : memref<10000x64xbf16, #tpu.memory_space<hbm>>) dst(%arg12 : memref<128x64xbf16, #tpu.memory_space<vmem>>)
    %barrier3A_74 = arith.constant 0 : index
    tpu.barrier barrier_id(%barrier3A_74)
    %mul3A_75 = arith.constant 10112 : i32
    %mul3A_76 = arith.muli %arg0, %mul3A_75 : i32
    %add3A = arith.addi %mul3A_76, %mul3A_0 : i32
    "tpu.region"() ({
      %run_scoped3A = tpu.sem_alloc : memref<!tpu.dma_semaphore, #tpu.memory_space<semaphore_mem>>
      %dma_start3A_80 = arith.constant 0 : i32
      %dma_start3A_81 = tpu.memref_slice %arg8[%add3A, %dma_start3A_80] : memref<20224x64xbf16, #tpu.memory_space<hbm>> -> memref<632x64xbf16, #tpu.memory_space<hbm>>
      %dma_start3A_82 = arith.constant 0 : i32
      %dma_start3A_83 = tpu.memref_slice %arg14[%mul3A_0, %dma_start3A_82] : memref<10112x64xbf16, #tpu.memory_space<vmem_shared>> -> memref<632x64xbf16, #tpu.memory_space<vmem_shared>>
      tpu.enqueue_dma source(%dma_start3A_83 : memref<632x64xbf16, #tpu.memory_space<vmem_shared>>) target(%dma_start3A_81 : memref<632x64xbf16, #tpu.memory_space<hbm>>) target_semaphore(%run_scoped3A : memref<!tpu.dma_semaphore, #tpu.memory_space<semaphore_mem>>)
      %dma_wait3A_84 = arith.constant 0 : i32
      %dma_wait3A_85 = tpu.memref_slice %arg8[%add3A, %dma_wait3A_84] : memref<20224x64xbf16, #tpu.memory_space<hbm>> -> memref<632x64xbf16, #tpu.memory_space<hbm>>
      %dma_wait3A_86 = arith.constant 0 : i32
      %dma_wait3A_87 = tpu.memref_slice %arg14[%mul3A_0, %dma_wait3A_86] : memref<10112x64xbf16, #tpu.memory_space<vmem_shared>> -> memref<632x64xbf16, #tpu.memory_space<vmem_shared>>
      tpu.wait_dma2 semaphore(%run_scoped3A : memref<!tpu.dma_semaphore, #tpu.memory_space<semaphore_mem>>) src(%dma_wait3A_87 : memref<632x64xbf16, #tpu.memory_space<vmem_shared>>) dst(%dma_wait3A_85 : memref<632x64xbf16, #tpu.memory_space<hbm>>)
      tpu.yield
    }) : () -> ()
    %mul3A_77 = arith.constant 10112 : i32
    %mul3A_78 = arith.muli %arg0, %mul3A_77 : i32
    %add3A_79 = arith.addi %mul3A_78, %mul3A_0 : i32
    "tpu.region"() ({
      %run_scoped3A = tpu.sem_alloc : memref<!tpu.dma_semaphore, #tpu.memory_space<semaphore_mem>>
      %dma_start3A_80 = arith.constant 0 : i32
      %dma_start3A_81 = tpu.memref_slice %arg9[%add3A_79, %dma_start3A_80] : memref<20224x16xf32, #tpu.memory_space<hbm>> -> memref<632x16xf32, #tpu.memory_space<hbm>>
      %dma_start3A_82 = arith.constant 0 : i32
      %dma_start3A_83 = tpu.memref_slice %arg18[%mul3A_0, %dma_start3A_82] : memref<10112x16xf32, #tpu.memory_space<vmem_shared>> -> memref<632x16xf32, #tpu.memory_space<vmem_shared>>
      tpu.enqueue_dma source(%dma_start3A_83 : memref<632x16xf32, #tpu.memory_space<vmem_shared>>) target(%dma_start3A_81 : memref<632x16xf32, #tpu.memory_space<hbm>>) target_semaphore(%run_scoped3A : memref<!tpu.dma_semaphore, #tpu.memory_space<semaphore_mem>>)
      %dma_wait3A_84 = arith.constant 0 : i32
      %dma_wait3A_85 = tpu.memref_slice %arg9[%add3A_79, %dma_wait3A_84] : memref<20224x16xf32, #tpu.memory_space<hbm>> -> memref<632x16xf32, #tpu.memory_space<hbm>>
      %dma_wait3A_86 = arith.constant 0 : i32
      %dma_wait3A_87 = tpu.memref_slice %arg18[%mul3A_0, %dma_wait3A_86] : memref<10112x16xf32, #tpu.memory_space<vmem_shared>> -> memref<632x16xf32, #tpu.memory_space<vmem_shared>>
      tpu.wait_dma2 semaphore(%run_scoped3A : memref<!tpu.dma_semaphore, #tpu.memory_space<semaphore_mem>>) src(%dma_wait3A_87 : memref<632x16xf32, #tpu.memory_space<vmem_shared>>) dst(%dma_wait3A_85 : memref<632x16xf32, #tpu.memory_space<hbm>>)
      tpu.yield
    }) : () -> ()
    return
  }
}

module attributes {stable_mosaic.version = 14 : i64} {
  func.func @_tc_layer1(%arg0: i32, %arg1: memref<1000x128xf32, #tpu.memory_space<vmem>>, %arg2: memref<2x1000x64xbf16, #tpu.memory_space<vmem>>, %arg3: memref<2x1000x16xf32, #tpu.memory_space<vmem>>, %arg4: memref<256x128xf32, #tpu.memory_space<vmem>>, %arg5: memref<256x128xf32, #tpu.memory_space<vmem>>, %arg6: memref<1x256xf32, #tpu.memory_space<vmem>>, %arg7: memref<128x256xf32, #tpu.memory_space<vmem>>, %arg8: memref<128x256xf32, #tpu.memory_space<vmem>>, %arg9: memref<1x128xf32, #tpu.memory_space<vmem>>, %arg10: memref<2x1000x64xbf16, #tpu.memory_space<vmem>>, %arg11: memref<1000x128xf32, #tpu.memory_space<vmem>>) attributes {dimension_semantics = [#tpu.dimension_semantics<arbitrary>], iteration_bounds = array<i64: 10>, scalar_prefetch = 0 : i64, scratch_operands = 0 : i64, tpu.core_type = #tpu.core_type<tc>, window_params = [{transform_indices = @transform_0, window_bounds = array<i64: 1000, 128>}, {transform_indices = @transform_1, window_bounds = array<i64: 2, 1000, 64>}, {transform_indices = @transform_2, window_bounds = array<i64: 2, 1000, 16>}, {pipeline_mode = #tpu.pipeline_mode<synchronous>, transform_indices = @transform_3, window_bounds = array<i64: 256, 128>}, {pipeline_mode = #tpu.pipeline_mode<synchronous>, transform_indices = @transform_4, window_bounds = array<i64: 256, 128>}, {pipeline_mode = #tpu.pipeline_mode<synchronous>, transform_indices = @transform_5, window_bounds = array<i64: 1, 256>}, {pipeline_mode = #tpu.pipeline_mode<synchronous>, transform_indices = @transform_6, window_bounds = array<i64: 128, 256>}, {pipeline_mode = #tpu.pipeline_mode<synchronous>, transform_indices = @transform_7, window_bounds = array<i64: 128, 256>}, {pipeline_mode = #tpu.pipeline_mode<synchronous>, transform_indices = @transform_8, window_bounds = array<i64: 1, 128>}, {transform_indices = @transform_9, window_bounds = array<i64: 2, 1000, 64>}, {transform_indices = @transform_10, window_bounds = array<i64: 1000, 128>}]} {
    %get3A = arith.constant 0 : index
    %get3A_0 = arith.constant 0 : index
    %get3A_1 = arith.constant 0 : index
    %get3A_2 = vector.load %arg2[%get3A, %get3A_0, %get3A_1] : memref<2x1000x64xbf16, #tpu.memory_space<vmem>>, vector<2x1000x64xbf16>
    %convert_element_type3A = arith.extf %get3A_2 : vector<2x1000x64xbf16> to vector<2x1000x64xf32>
    %get3A_3 = arith.constant 0 : index
    %get3A_4 = arith.constant 0 : index
    %get3A_5 = arith.constant 0 : index
    %get3A_6 = vector.load %arg3[%get3A_3, %get3A_4, %get3A_5] : memref<2x1000x16xf32, #tpu.memory_space<vmem>>, vector<2x1000x16xf32>
    %slice3A = vector.extract_strided_slice %get3A_6 {offsets = [0, 0, 0], sizes = [1, 1000, 16], strides = [1, 1, 1]} : vector<2x1000x16xf32> to vector<1x1000x16xf32>
    %squeeze3A = vector.shape_cast %slice3A : vector<1x1000x16xf32> to vector<1000x16xf32>
    %slice3A_7 = vector.extract_strided_slice %get3A_6 {offsets = [1, 0, 0], sizes = [1, 1000, 16], strides = [1, 1, 1]} : vector<2x1000x16xf32> to vector<1x1000x16xf32>
    %squeeze3A_8 = vector.shape_cast %slice3A_7 : vector<1x1000x16xf32> to vector<1000x16xf32>
    %add3A = arith.addf %squeeze3A, %squeeze3A_8 : vector<1000x16xf32>
    %slice3A_9 = vector.extract_strided_slice %add3A {offsets = [0, 0], sizes = [1000, 1], strides = [1, 1]} : vector<1000x16xf32> to vector<1000x1xf32>
    %max3A = arith.constant 1.000000e+00 : f32
    %max3A_10 = vector.broadcast %max3A : f32 to vector<1000x1xf32>
    %max3A_11 = arith.maximumf %slice3A_9, %max3A_10 : vector<1000x1xf32>
    %div3A = arith.constant 1.000000e+00 : f32
    %div3A_12 = vector.broadcast %div3A : f32 to vector<1000x1xf32>
    %div3A_13 = arith.divf %div3A_12, %max3A_11 : vector<1000x1xf32>
    %slice3A_14 = vector.extract_strided_slice %convert_element_type3A {offsets = [0, 0, 0], sizes = [1, 1000, 64], strides = [1, 1, 1]} : vector<2x1000x64xf32> to vector<1x1000x64xf32>
    %squeeze3A_15 = vector.shape_cast %slice3A_14 : vector<1x1000x64xf32> to vector<1000x64xf32>
    %slice3A_16 = vector.extract_strided_slice %convert_element_type3A {offsets = [1, 0, 0], sizes = [1, 1000, 64], strides = [1, 1, 1]} : vector<2x1000x64xf32> to vector<1x1000x64xf32>
    %squeeze3A_17 = vector.shape_cast %slice3A_16 : vector<1x1000x64xf32> to vector<1000x64xf32>
    %concatenate3A = tpu.concatenate %squeeze3A_15, %squeeze3A_17 in 1 : vector<1000x64xf32>, vector<1000x64xf32> -> vector<1000x128xf32>
    %mul3A = vector.broadcast %div3A_13 : vector<1000x1xf32> to vector<1000x128xf32>
    %mul3A_18 = arith.mulf %concatenate3A, %mul3A : vector<1000x128xf32>
    %get3A_19 = arith.constant 0 : index
    %get3A_20 = arith.constant 0 : index
    %get3A_21 = vector.load %arg1[%get3A_19, %get3A_20] : memref<1000x128xf32, #tpu.memory_space<vmem>>, vector<1000x128xf32>
    %get3A_22 = arith.constant 0 : index
    %get3A_23 = arith.constant 0 : index
    %get3A_24 = vector.load %arg4[%get3A_22, %get3A_23] : memref<256x128xf32, #tpu.memory_space<vmem>>, vector<256x128xf32>
    %dot_general3A = arith.constant dense<0.000000e+00> : vector<1000x256xf32>
    %dot_general3A_25 = tpu.matmul %get3A_21, %get3A_24, %dot_general3A {dimension_numbers = #tpu.dot_dimension_numbers<[1], [1], [0], [0], [0, 0, 1, 0], [], []>, transpose_lhs_hint = false} : vector<1000x128xf32>, vector<256x128xf32>, vector<1000x256xf32> -> vector<1000x256xf32>
    %get3A_26 = arith.constant 0 : index
    %get3A_27 = arith.constant 0 : index
    %get3A_28 = vector.load %arg5[%get3A_26, %get3A_27] : memref<256x128xf32, #tpu.memory_space<vmem>>, vector<256x128xf32>
    %dot_general3A_29 = arith.constant dense<0.000000e+00> : vector<1000x256xf32>
    %dot_general3A_30 = tpu.matmul %mul3A_18, %get3A_28, %dot_general3A_29 {dimension_numbers = #tpu.dot_dimension_numbers<[1], [1], [0], [0], [0, 0, 1, 0], [], []>, transpose_lhs_hint = false} : vector<1000x128xf32>, vector<256x128xf32>, vector<1000x256xf32> -> vector<1000x256xf32>
    %add3A_31 = arith.addf %dot_general3A_25, %dot_general3A_30 : vector<1000x256xf32>
    %get3A_32 = arith.constant 0 : index
    %get3A_33 = arith.constant 0 : index
    %get3A_34 = vector.load %arg6[%get3A_32, %get3A_33] : memref<1x256xf32, #tpu.memory_space<vmem>>, vector<1x256xf32>
    %add3A_35 = vector.broadcast %get3A_34 : vector<1x256xf32> to vector<1000x256xf32>
    %add3A_36 = arith.addf %add3A_31, %add3A_35 : vector<1000x256xf32>
    %max3A_37 = arith.constant 0.000000e+00 : f32
    %max3A_38 = vector.broadcast %max3A_37 : f32 to vector<1000x256xf32>
    %max3A_39 = arith.maximumf %add3A_36, %max3A_38 : vector<1000x256xf32>
    %get3A_40 = arith.constant 0 : index
    %get3A_41 = arith.constant 0 : index
    %get3A_42 = vector.load %arg7[%get3A_40, %get3A_41] : memref<128x256xf32, #tpu.memory_space<vmem>>, vector<128x256xf32>
    %dot_general3A_43 = arith.constant dense<0.000000e+00> : vector<1000x128xf32>
    %dot_general3A_44 = tpu.matmul %max3A_39, %get3A_42, %dot_general3A_43 {dimension_numbers = #tpu.dot_dimension_numbers<[1], [1], [0], [0], [0, 0, 1, 0], [], []>, transpose_lhs_hint = false} : vector<1000x256xf32>, vector<128x256xf32>, vector<1000x128xf32> -> vector<1000x128xf32>
    %convert_element_type3A_45 = arith.truncf %dot_general3A_44 : vector<1000x128xf32> to vector<1000x128xbf16>
    %slice3A_46 = vector.extract_strided_slice %convert_element_type3A_45 {offsets = [0, 0], sizes = [1000, 64], strides = [1, 1]} : vector<1000x128xbf16> to vector<1000x64xbf16>
    %swap3A = arith.constant 0 : index
    %swap3A_47 = arith.constant 0 : index
    %swap3A_48 = arith.constant 0 : index
    %swap3A_49 = vector.load %arg10[%swap3A, %swap3A_47, %swap3A_48] : memref<2x1000x64xbf16, #tpu.memory_space<vmem>>, vector<1x1000x64xbf16>
    %swap3A_50 = vector.shape_cast %swap3A_49 : vector<1x1000x64xbf16> to vector<1000x64xbf16>
    %swap3A_51 = vector.shape_cast %slice3A_46 : vector<1000x64xbf16> to vector<1x1000x64xbf16>
    tpu.vector_store %arg10[%swap3A, %swap3A_47, %swap3A_48], %swap3A_51 {strides = array<i32>} : memref<2x1000x64xbf16, #tpu.memory_space<vmem>>, vector<1x1000x64xbf16>,
    %slice3A_52 = vector.extract_strided_slice %convert_element_type3A_45 {offsets = [0, 64], sizes = [1000, 64], strides = [1, 1]} : vector<1000x128xbf16> to vector<1000x64xbf16>
    %swap3A_53 = arith.constant 1 : index
    %swap3A_54 = arith.constant 0 : index
    %swap3A_55 = arith.constant 0 : index
    %swap3A_56 = vector.load %arg10[%swap3A_53, %swap3A_54, %swap3A_55] : memref<2x1000x64xbf16, #tpu.memory_space<vmem>>, vector<1x1000x64xbf16>
    %swap3A_57 = vector.shape_cast %swap3A_56 : vector<1x1000x64xbf16> to vector<1000x64xbf16>
    %swap3A_58 = vector.shape_cast %slice3A_52 : vector<1000x64xbf16> to vector<1x1000x64xbf16>
    tpu.vector_store %arg10[%swap3A_53, %swap3A_54, %swap3A_55], %swap3A_58 {strides = array<i32>} : memref<2x1000x64xbf16, #tpu.memory_space<vmem>>, vector<1x1000x64xbf16>,
    %get3A_59 = arith.constant 0 : index
    %get3A_60 = arith.constant 0 : index
    %get3A_61 = vector.load %arg8[%get3A_59, %get3A_60] : memref<128x256xf32, #tpu.memory_space<vmem>>, vector<128x256xf32>
    %dot_general3A_62 = arith.constant dense<0.000000e+00> : vector<1000x128xf32>
    %dot_general3A_63 = tpu.matmul %max3A_39, %get3A_61, %dot_general3A_62 {dimension_numbers = #tpu.dot_dimension_numbers<[1], [1], [0], [0], [0, 0, 1, 0], [], []>, transpose_lhs_hint = false} : vector<1000x256xf32>, vector<128x256xf32>, vector<1000x128xf32> -> vector<1000x128xf32>
    %get3A_64 = arith.constant 0 : index
    %get3A_65 = arith.constant 0 : index
    %get3A_66 = vector.load %arg9[%get3A_64, %get3A_65] : memref<1x128xf32, #tpu.memory_space<vmem>>, vector<1x128xf32>
    %add3A_67 = vector.broadcast %get3A_66 : vector<1x128xf32> to vector<1000x128xf32>
    %add3A_68 = arith.addf %dot_general3A_63, %add3A_67 : vector<1000x128xf32>
    %swap3A_69 = arith.constant 0 : index
    %swap3A_70 = arith.constant 0 : index
    %swap3A_71 = vector.load %arg11[%swap3A_69, %swap3A_70] : memref<1000x128xf32, #tpu.memory_space<vmem>>, vector<1000x128xf32>
    tpu.vector_store %arg11[%swap3A_69, %swap3A_70], %add3A_68 {strides = array<i32>} : memref<1000x128xf32, #tpu.memory_space<vmem>>, vector<1000x128xf32>,
    return
  }
  func.func @transform_0(%arg0: i32) -> (i32, i32) {
    %c0_i32 = arith.constant 0 : i32
    %c0_i32_0 = arith.constant 0 : i32
    return %arg0, %c0_i32 : i32, i32
  }
  func.func @transform_1(%arg0: i32) -> (i32, i32, i32) {
    %c0_i32 = arith.constant 0 : i32
    %c0_i32_0 = arith.constant 0 : i32
    %c0_i32_1 = arith.constant 0 : i32
    return %c0_i32, %arg0, %c0_i32_0 : i32, i32, i32
  }
  func.func @transform_2(%arg0: i32) -> (i32, i32, i32) {
    %c0_i32 = arith.constant 0 : i32
    %c0_i32_0 = arith.constant 0 : i32
    %c0_i32_1 = arith.constant 0 : i32
    return %c0_i32, %arg0, %c0_i32_0 : i32, i32, i32
  }
  func.func @transform_3(%arg0: i32) -> (i32, i32) {
    %c0_i32 = arith.constant 0 : i32
    %c0_i32_0 = arith.constant 0 : i32
    %c0_i32_1 = arith.constant 0 : i32
    return %c0_i32, %c0_i32_0 : i32, i32
  }
  func.func @transform_4(%arg0: i32) -> (i32, i32) {
    %c0_i32 = arith.constant 0 : i32
    %c0_i32_0 = arith.constant 0 : i32
    %c0_i32_1 = arith.constant 0 : i32
    return %c0_i32, %c0_i32_0 : i32, i32
  }
  func.func @transform_5(%arg0: i32) -> (i32, i32) {
    %c0_i32 = arith.constant 0 : i32
    %c0_i32_0 = arith.constant 0 : i32
    %c0_i32_1 = arith.constant 0 : i32
    return %c0_i32, %c0_i32_0 : i32, i32
  }
  func.func @transform_6(%arg0: i32) -> (i32, i32) {
    %c0_i32 = arith.constant 0 : i32
    %c0_i32_0 = arith.constant 0 : i32
    %c0_i32_1 = arith.constant 0 : i32
    return %c0_i32, %c0_i32_0 : i32, i32
  }
  func.func @transform_7(%arg0: i32) -> (i32, i32) {
    %c0_i32 = arith.constant 0 : i32
    %c0_i32_0 = arith.constant 0 : i32
    %c0_i32_1 = arith.constant 0 : i32
    return %c0_i32, %c0_i32_0 : i32, i32
  }
  func.func @transform_8(%arg0: i32) -> (i32, i32) {
    %c0_i32 = arith.constant 0 : i32
    %c0_i32_0 = arith.constant 0 : i32
    %c0_i32_1 = arith.constant 0 : i32
    return %c0_i32, %c0_i32_0 : i32, i32
  }
  func.func @transform_9(%arg0: i32) -> (i32, i32, i32) {
    %c0_i32 = arith.constant 0 : i32
    %c0_i32_0 = arith.constant 0 : i32
    %c0_i32_1 = arith.constant 0 : i32
    return %c0_i32, %arg0, %c0_i32_0 : i32, i32, i32
  }
  func.func @transform_10(%arg0: i32) -> (i32, i32) {
    %c0_i32 = arith.constant 0 : i32
    %c0_i32_0 = arith.constant 0 : i32
    return %arg0, %c0_i32 : i32, i32
  }
}

module attributes {stable_mosaic.version = 14 : i64} {
  func.func @_tc_layer2(%arg0: i32, %arg1: memref<1000x128xf32, #tpu.memory_space<vmem>>, %arg2: memref<2x1000x64xbf16, #tpu.memory_space<vmem>>, %arg3: memref<2x1000x16xf32, #tpu.memory_space<vmem>>, %arg4: memref<1000x128xf32, #tpu.memory_space<vmem>>) attributes {dimension_semantics = [#tpu.dimension_semantics<arbitrary>], iteration_bounds = array<i64: 10>, scalar_prefetch = 0 : i64, scratch_operands = 0 : i64, tpu.core_type = #tpu.core_type<tc>, window_params = [{transform_indices = @transform_0, window_bounds = array<i64: 1000, 128>}, {transform_indices = @transform_1, window_bounds = array<i64: 2, 1000, 64>}, {transform_indices = @transform_2, window_bounds = array<i64: 2, 1000, 16>}, {transform_indices = @transform_3, window_bounds = array<i64: 1000, 128>}]} {
    %get3A = arith.constant 0 : index
    %get3A_0 = arith.constant 0 : index
    %get3A_1 = arith.constant 0 : index
    %get3A_2 = vector.load %arg2[%get3A, %get3A_0, %get3A_1] : memref<2x1000x64xbf16, #tpu.memory_space<vmem>>, vector<2x1000x64xbf16>
    %convert_element_type3A = arith.extf %get3A_2 : vector<2x1000x64xbf16> to vector<2x1000x64xf32>
    %get3A_3 = arith.constant 0 : index
    %get3A_4 = arith.constant 0 : index
    %get3A_5 = arith.constant 0 : index
    %get3A_6 = vector.load %arg3[%get3A_3, %get3A_4, %get3A_5] : memref<2x1000x16xf32, #tpu.memory_space<vmem>>, vector<2x1000x16xf32>
    %slice3A = vector.extract_strided_slice %get3A_6 {offsets = [0, 0, 0], sizes = [1, 1000, 16], strides = [1, 1, 1]} : vector<2x1000x16xf32> to vector<1x1000x16xf32>
    %squeeze3A = vector.shape_cast %slice3A : vector<1x1000x16xf32> to vector<1000x16xf32>
    %slice3A_7 = vector.extract_strided_slice %get3A_6 {offsets = [1, 0, 0], sizes = [1, 1000, 16], strides = [1, 1, 1]} : vector<2x1000x16xf32> to vector<1x1000x16xf32>
    %squeeze3A_8 = vector.shape_cast %slice3A_7 : vector<1x1000x16xf32> to vector<1000x16xf32>
    %add3A = arith.addf %squeeze3A, %squeeze3A_8 : vector<1000x16xf32>
    %slice3A_9 = vector.extract_strided_slice %add3A {offsets = [0, 0], sizes = [1000, 1], strides = [1, 1]} : vector<1000x16xf32> to vector<1000x1xf32>
    %max3A = arith.constant 1.000000e+00 : f32
    %max3A_10 = vector.broadcast %max3A : f32 to vector<1000x1xf32>
    %max3A_11 = arith.maximumf %slice3A_9, %max3A_10 : vector<1000x1xf32>
    %div3A = arith.constant 1.000000e+00 : f32
    %div3A_12 = vector.broadcast %div3A : f32 to vector<1000x1xf32>
    %div3A_13 = arith.divf %div3A_12, %max3A_11 : vector<1000x1xf32>
    %get3A_14 = arith.constant 0 : index
    %get3A_15 = arith.constant 0 : index
    %get3A_16 = vector.load %arg1[%get3A_14, %get3A_15] : memref<1000x128xf32, #tpu.memory_space<vmem>>, vector<1000x128xf32>
    %slice3A_17 = vector.extract_strided_slice %convert_element_type3A {offsets = [0, 0, 0], sizes = [1, 1000, 64], strides = [1, 1, 1]} : vector<2x1000x64xf32> to vector<1x1000x64xf32>
    %squeeze3A_18 = vector.shape_cast %slice3A_17 : vector<1x1000x64xf32> to vector<1000x64xf32>
    %slice3A_19 = vector.extract_strided_slice %convert_element_type3A {offsets = [1, 0, 0], sizes = [1, 1000, 64], strides = [1, 1, 1]} : vector<2x1000x64xf32> to vector<1x1000x64xf32>
    %squeeze3A_20 = vector.shape_cast %slice3A_19 : vector<1x1000x64xf32> to vector<1000x64xf32>
    %concatenate3A = tpu.concatenate %squeeze3A_18, %squeeze3A_20 in 1 : vector<1000x64xf32>, vector<1000x64xf32> -> vector<1000x128xf32>
    %mul3A = vector.broadcast %div3A_13 : vector<1000x1xf32> to vector<1000x128xf32>
    %mul3A_21 = arith.mulf %concatenate3A, %mul3A : vector<1000x128xf32>
    %add3A_22 = arith.addf %get3A_16, %mul3A_21 : vector<1000x128xf32>
    %swap3A = arith.constant 0 : index
    %swap3A_23 = arith.constant 0 : index
    %swap3A_24 = vector.load %arg4[%swap3A, %swap3A_23] : memref<1000x128xf32, #tpu.memory_space<vmem>>, vector<1000x128xf32>
    tpu.vector_store %arg4[%swap3A, %swap3A_23], %add3A_22 {strides = array<i32>} : memref<1000x128xf32, #tpu.memory_space<vmem>>, vector<1000x128xf32>,
    return
  }
  func.func @transform_0(%arg0: i32) -> (i32, i32) {
    %c0_i32 = arith.constant 0 : i32
    %c0_i32_0 = arith.constant 0 : i32
    return %arg0, %c0_i32 : i32, i32
  }
  func.func @transform_1(%arg0: i32) -> (i32, i32, i32) {
    %c0_i32 = arith.constant 0 : i32
    %c0_i32_0 = arith.constant 0 : i32
    %c0_i32_1 = arith.constant 0 : i32
    return %c0_i32, %arg0, %c0_i32_0 : i32, i32, i32
  }
  func.func @transform_2(%arg0: i32) -> (i32, i32, i32) {
    %c0_i32 = arith.constant 0 : i32
    %c0_i32_0 = arith.constant 0 : i32
    %c0_i32_1 = arith.constant 0 : i32
    return %c0_i32, %arg0, %c0_i32_0 : i32, i32, i32
  }
  func.func @transform_3(%arg0: i32) -> (i32, i32) {
    %c0_i32 = arith.constant 0 : i32
    %c0_i32_0 = arith.constant 0 : i32
    return %arg0, %c0_i32 : i32, i32
  }
}

</mosaic_0001>

<sc_bundles>
// kernel: kernel.6.cloned.1.call-start
scs
__scs_entry_jumppad:
0x0: {  	(pc) =	sbr.rel $0x88, $3  }
0x1: {  	(tag) =	ssettag $0x0;
	lr =	simm.s32 $0x1  }
0x2: {  	[smem:$0x3F99] =	sst lr;
	_ =	strace $0xD0000000  }
0x3: {  	_ = 	snop  }
0x4: {  	_ = 	snop  }
0x5: {  	_ = 	snop  }
0x6: {  	_ = 	snop  }
0x7: {  	_ = 	snop  }
__scs_overlays_trampoline_lowered:
0x8: {  	[smem:$0x3FA8] =	sst s0  }
0x9: {  	[smem:$0x3FA9] =	sst s1  }
0xa: {  	[smem:$0x3FAA] =	sst s2  }
0xb: {  	[smem:$0x3FAB] =	sst s3  }
0xc: {  	[smem:$0x3FAC] =	sst s4  }
0xd: {  	[smem:$0x3FAD] =	sst s5  }
0xe: {  	[smem:$0x3FAE] =	sst s6  }
0xf: {  	[smem:$0x3FAF] =	sst s7  }
0x10: {  	[smem:$0x3FB0] =	sst s8  }
0x11: {  	[smem:$0x3FB1] =	sst s9;
	s0 =	simm.s32 @!p0 $0x0  }
0x12: {  	s1 =	sld [smem:$0x3F97];
	s0 =	simm.s32 @p0 $0x1  }
0x13: {  	[smem:$0x3FB2] =	sst s0;
	s0 =	simm.s32 @!p1 $0x0  }
0x14: {  	s2 =	sld [smem:$0x3F96];
	s0 =	simm.s32 @p1 $0x1  }
0x15: {  	[smem:$0x3FB3] =	sst s0;
	s0 =	simm.s32 @!p2 $0x0  }
0x16: {  	s3 =	sld [smem:$0x3FDB];
	s0 =	simm.s32 @p2 $0x1  }
0x17: {  	s4 =	simm.s32 $0x1BF5;
	[smem:$0x3FB5] =	sst s0  }
0x18: {  	s0 =	sld [smem:$0x3F98];
	_ =	swait.ge [sflag:s4], $0x0  }
0x19: {  	s7 =	sld [smem:$0x3F99]  }
0x1a: {  	s8 =	sadd.s32 $0xFFFFE003, lr  }
0x1b: {  	s9 =	sadd.s32 $0xFFFFFEF7, lr;
	s5 =	simm.s32 $0xFFFFFFFF;
	p2 =	slt.u32 s8, $0xFFFFF086  }
0x1c: {  	p1 =	slt.u32 s9, $0xF7A;
	s5 =	simm.s32 @!p2 $0x0  }
0x1d: {  	s5 =	simm.s32 @p1 $0x1;
	p0 =	seq.s32 s7, s2  }
0x1e: {  	s7 =	smul.u32 @!p0 $0xF7A, s2;
	p2 =	seq.s32 @!p0 s5, $0x0  }
0x1f: {  	s9 =	smul.u32 $0xF7A, s1;
	s8 =	simm.s32 @!p0 $0x1BF5;
	p2 =	por !p2, p0  }
0x20: {  	[sflag:s8] =	ssyncset.s32 @!p0 $0xFFFFF086;
	s6 =	sadd.s32 @!p0 s3, s7;
	s7 =	simm.s32 @!p0 $0x108  }
0x21: {  	s3 =	sadd.s32 s3, s9;
	s6 =	sadd.s32 @!p0 $0x88, s6;
	s7 =	simm.s32 @p2 $0x1082  }
0x22: {  	[simem:s7], [sflag:s8] =	dma.local @!p0 [hbm:s6], $0xF7A  }
0x23: {  	s9 =	sor.u32 $0xD0000000, s2;
	s6 =	simm.s32 $0x108;
	_ =	swait.ge @!p0 [sflag:s8], $0x0  }
0x24: {  	s3 =	sadd.s32 $0x88, s3;
	s6 =	simm.s32 @!p1 $0x1082;
	[sflag:s4] =	ssyncset.s32 $0xFFFFF086  }
0x25: {  	[simem:s6], [sflag:s4] =	dma.local [hbm:s3], $0xF7A  }
0x26: {  	[smem:$0x3F99] =	sst s1;
	(tag) =	ssettag s2;
	_ =	strace s9  }
0x27: {  	s1 =	sld [smem:$0x3FA9]  }
0x28: {  	s2 =	sld [smem:$0x3FAA]  }
0x29: {  	s4 =	sld [smem:$0x3FAC]  }
0x2a: {  	p0 =	seq.s32 s5, $0x0;
	s5 =	sld [smem:$0x3FAD]  }
0x2b: {  	s6 =	sld [smem:$0x3FAE]  }
0x2c: {  	s7 =	sld [smem:$0x3FAF]  }
0x2d: {  	s3 =	simm.s32 $0x108;
	s8 =	sld [smem:$0x3FB0]  }
0x2e: {  	s3 =	simm.s32 @!p0 $0x1082;
	s9 =	sld [smem:$0x3FB1]  }
0x2f: {  	lr =	sadd.s32 s0, s3;
	s0 =	sld [smem:$0x3FA8]  }
0x30: {  	s3 =	sld [smem:$0x3FAB]  }
0x31: {  	[smem:$0x3FB4] =	sst s10  }
0x32: {  	s10 =	sld [smem:$0x3FB2];
	_ =	sdelay $0x3  }
0x33: {  	p0 =	seq.s32 s10, $0x1;
	s10 =	sld [smem:$0x3FB4];
	_ =	sdelay $0x3  }
0x34: {  	[smem:$0x3FB4] =	sst s10  }
0x35: {  	s10 =	sld [smem:$0x3FB3];
	_ =	sdelay $0x3  }
0x36: {  	p1 =	seq.s32 s10, $0x1;
	s10 =	sld [smem:$0x3FB4];
	_ =	sdelay $0x3  }
0x37: {  	[smem:$0x3FB4] =	sst s10  }
0x38: {  	s10 =	sld [smem:$0x3FB5]  }
0x39: {  	_ = 	snop;
	(pc) =	sbr.ind lr, $3  }
0x3a: {  	_ = 	snop  }
0x3b: {  	_ = 	snop  }
0x3c: {  	p2 =	seq.s32 s10, $0x1;
	s10 =	sld [smem:$0x3FB4]  }
0x3d: {  	_ =	shalt  }
0x3e: {  	_ =	shalt  }
0x3f: {  	_ =	shalt  }
0x40: {  	_ =	shalt  }
0x41: {  	_ =	shalt  }
0x42: {  	_ =	shalt  }
0x43: {  	_ =	shalt  }
0x44: {  	_ =	shalt  }
0x45: {  	_ =	shalt  }
0x46: {  	_ =	shalt  }
0x47: {  	_ =	shalt  }
0x48: {  	_ =	shalt  }
0x49: {  	_ =	shalt  }
0x4a: {  	_ =	shalt  }
0x4b: {  	_ =	shalt  }
0x4c: {  	_ =	shalt  }
0x4d: {  	_ =	shalt  }
0x4e: {  	_ =	shalt  }
0x4f: {  	_ =	shalt  }
0x50: {  	_ =	shalt  }
0x51: {  	_ =	shalt  }
0x52: {  	_ =	shalt  }
0x53: {  	_ =	shalt  }
0x54: {  	_ =	shalt  }
0x55: {  	_ =	shalt  }
0x56: {  	_ =	shalt  }
0x57: {  	_ =	shalt  }
0x58: {  	_ =	shalt  }
0x59: {  	_ =	shalt  }
0x5a: {  	_ =	shalt  }
0x5b: {  	_ =	shalt  }
0x5c: {  	_ =	shalt  }
0x5d: {  	_ =	shalt  }
0x5e: {  	_ =	shalt  }
0x5f: {  	_ =	shalt  }
0x60: {  	_ =	shalt  }
0x61: {  	_ =	shalt  }
0x62: {  	_ =	shalt  }
0x63: {  	_ =	shalt  }
0x64: {  	_ =	shalt  }
0x65: {  	_ =	shalt  }
0x66: {  	_ =	shalt  }
0x67: {  	_ =	shalt  }
0x68: {  	_ =	shalt  }
0x69: {  	_ =	shalt  }
0x6a: {  	_ =	shalt  }
0x6b: {  	_ =	shalt  }
0x6c: {  	_ =	shalt  }
0x6d: {  	_ =	shalt  }
0x6e: {  	_ =	shalt  }
0x6f: {  	_ =	shalt  }
0x70: {  	_ =	shalt  }
0x71: {  	_ =	shalt  }
0x72: {  	_ =	shalt  }
0x73: {  	_ =	shalt  }
0x74: {  	_ =	shalt  }
0x75: {  	_ =	shalt  }
0x76: {  	_ =	shalt  }
0x77: {  	_ =	shalt  }
0x78: {  	_ =	shalt  }
0x79: {  	_ =	shalt  }
0x7a: {  	_ =	shalt  }
0x7b: {  	_ =	shalt  }
0x7c: {  	_ =	shalt  }
0x7d: {  	_ =	shalt  }
0x7e: {  	_ =	shalt  }
0x7f: {  	_ =	shalt  }
0x80: {  	_ =	shalt  }
0x81: {  	_ =	shalt  }
0x82: {  	_ =	shalt  }
0x83: {  	_ =	shalt  }
0x84: {  	_ =	shalt  }
0x85: {  	_ =	shalt  }
0x86: {  	_ =	shalt  }
0x87: {  	_ =	shalt  }
.Lfunc_end0:
.L_simem_size_0:
called_computation_lowered:
.L_overlay_start_0:
0x88: {  	s2 =	sld [smem:$0x3FD9]  }
0x89: {  	s3 =	sld [smem:$0x3FFE];
	_ =	sdelay $0x1  }
0x8a: {  	s1 =	srdreg.scid  }
0x8b: {  	s0 =	sand.u32 $0x1, s1  }
0x8c: {  	s17 =	sshll.u32 s0, $0xA;
	s2 =	sadd.s32 s3, s2  }
0x8d: {  	s2 =	sadd.s32 s2, s17  }
0x8e: {  	[smem:$0x3FC0] =	sst s2  }
0x8f: {  	_ = 	snop  }
0x90: {  	s2 =	sld [smem:$0x3FD0];
	(tm) =	ssettm $0x1  }
0x91: {  	s18 =	sld [smem:$0x3FFB];
	_ =	sdelay $0x3  }
0x92: {  	_ =	strace s18  }
0x93: {  	s3 =	sld [smem:$0x3FFC];
	_ =	sdelay $0x3  }
0x94: {  	_ =	strace s3  }
0x95: {  	s3 =	sld [smem:$0x3FFD];
	_ =	sdelay $0x3  }
0x96: {  	_ =	strace s3  }
0x97: {  	_ =	strace $0x8FFFFFFF  }
0x98: {  	s19 =	sld [smem:$0x3FDB];
	_ =	sdelay $0x1  }
0x99: {  	s4 =	simm.s32 $_scs_section_size  }
0x9a: {  	s5 =	simm.s32 $_size__tile_overlayer_lowered;
	s6 =	simm.s32 $_tile_overlayer_lowered  }
0x9b: {  	s22 =	simm.s32 $0x1BFF;
	s21 =	sshll.u32 s6, $0x1;
	s3 =	sadd.s32 s4, s19  }
0x9c: {  	s7 =	simm.s32 $0x0;
	s20 =	sshll.u32 s5, $0x1;
	s5 =	sadd.s32 s21, s3  }
0x9d: {  	[timem:s7], [sflag:s22] =	dma.local [hbm:s5], s20  }
0x9e: {  	_ =	swait.ge [sflag:s22], s20  }
0x9f: {  	s4 =	ssub.s32 $0x0, s20;
	[sflag:s22] =	ssyncset.done $0x0  }
0xa0: {  	[sflag:s22] =	ssyncadd.s32 s4;
	_ =	sdelay $0x1  }
0xa1: {  	s23 =	simm.s32 $0x1B8B  }
0xa2: {  	_ =	swait.ge [sflag:s23], $0x1  }
0xa3: {  	[sflag:s23] =	ssyncset.done $0x0  }
0xa4: {  	s25 =	simm.s32 $0x1B8E;
	s24 =	sld [smem:$0x3FFE];
	[sflag:s23] =	ssyncadd.s32 $0xFFFFFFFF  }
0xa5: {  	s26 =	simm.s32 $execute0_lowered;
	[smem:$0x3FD2] =	sst s25  }
0xa6: {  	s5 =	sshll.u32 s26, $0x1;
	_ =	strace $0x80000046;
	[dreg:$0x1] =	wrdreg $0xFFFFFFFF  }
0xa7: {  	s28 =	simm.s32 $_size_execute0_lowered;
	s3 =	sadd.s32 s3, s5;
	[dreg:$0x0] =	wrdreg $0x0  }
0xa8: {  	s5 =	sshll.u32 s28, $0x1;
	[dreg:$0x2] =	wrdreg s3  }
0xa9: {  	[dreg:$0x3] =	wrdreg s5  }
0xaa: {  	[dreg:$0x4] =	wrdreg $0xC0  }
0xab: {  	_ =	task [dreg:s7], $0x5FFFF  }
0xac: {  	[dreg:$0x1] =	wrdreg $0xFFFFFFFF  }
0xad: {  	[dreg:$0x0] =	wrdreg $0x60  }
0xae: {  	[dreg:$0x2] =	wrdreg s24  }
0xaf: {  	[dreg:$0x3] =	wrdreg s2  }
0xb0: {  	[dreg:$0x4] =	wrdreg $0xBF000  }
0xb1: {  	[dreg:$0x5] =	wrdreg $0x116000  }
0xb2: {  	[dreg:$0x6] =	wrdreg $0x9  }
0xb3: {  	_ =	task.clear_ibuf [dreg:s7], $0x7FFFF;
	_ =	strace $0x90000046  }
0xb4: {  	s29 =	simm.s32 $0x9;
	_ =	strace $0x80000048  }
0xb5: {  	_ =	swait.ge [sflag:s29], $0x1  }
0xb6: {  	[sflag:s29] =	ssyncadd.s32 $0xFFFFFFFF  }
0xb7: {  	_ =	strace $0x90000048  }
0xb8: {  	_ =	sfence  }
0xb9: {  	s30 =	sld [smem:$0x0];
	_ =	sdelay $0x2  }
0xba: {  	s31 =	sshll.u32 s1, $0xD;
	s1 =	sshrl.u32 s1, $0x2  }
0xbb: {  	s3 =	sand.u32 $0x4000, s31;
	s1 =	sadd.s32 s1, s30  }
0xbc: {  	s0 =	sor.u32 s3, s0;
	s1 =	sshll.u32 s1, $0x11  }
0xbd: {  	s0 =	sor.u32 s1, s0  }
0xbe: {  	s0 =	sadd.s32 $0x8F2B, s0  }
0xbf: {  	[sflag:s0] =	ssyncadd.remote.s32 $0x1  }
0xc0: {  	_ =	sfence.sel $0xFFFF  }
0xc1: {  	[dreg:$0x0] =	wrdreg $0xFFFFFFFF;
	(pc) =	sbr.abs _section_cstart, $3  }
0xc2: {  	[dreg:$0x1] =	wrdreg $0xFFFFFFFF  }
0xc3: {  	_ =	task.clear_ibuf [dreg:s7], $0x2FFFF;
	_ =	strace $0x9FFFFFFF  }
0xc4: {  	(tm) =	ssettm $0x7FFFFFFF  }
0xc5: {  	_ =	shalt  }
tec
execute0_lowered:
.L_overlay_start_1:
0x0: {  	(tag) =	ssettag $0x1  }
0x1: {  	s0 =	rddreg [dreg:$0x0]  }
0x2: {  	s1 =	rddreg [dreg:$0x1]  }
0x3: {  	s3 =	srdreg.scid;
	s17 =	stileid.u32  }
0x4: {  	s2 =	rddreg [dreg:$0x2];
	s6 =	smul.u32 $0x9E0, s17  }
0x5: {  	s4 =	simm.s32 $0x0;
	s20 =	simm.s32 $0x80;
	s7 =	smul.u32 $0x9E00, s17  }
0x6: {  	s18 =	sand.u32 $0x1, s3;
	s3 =	rddreg [dreg:$0x3];
	s8 =	smul.u32 $0x2780, s17  }
0x7: {  	s21 =	simm.s32 $0x9F00;
	[smem:$0x7FF] =	sst s4;
	s9 =	smul.u32 $0x278, s17  }
0x8: {  	s26 =	sadd.s32 $0x33A00, s0;
	s29 =	sshll.u32 s17, $0x6;
	s5 =	smul.u32 $0x9C40, s18  }
0x9: {  	_ =	strace $0x80000047;
	s10 =	smul.u32 $0x2780, s18;
	s25 =	ssub.s32 $0x2, s18  }
0xa: {  	[dreg:$0x5] =	wrdreg s26;
	p0 =	sne.s32 s18, $0x0;
	p1 =	seq.s32 s18, $0x0  }
0xb: {  	s26 =	simm.s32 $0x0;
	s22 =	sshrl.u32 s7, $0x4;
	s12 =	sadd.s32 s6, s0  }
0xc: {  	s24 =	sshrl.u32 s8, $0x3;
	s15 =	sshrl.u32 s25, $0x1;
	s7 =	sshrl.u32 s7, $0x1  }
0xd: {  	s30 =	sadd.s32 s8, s3;
	s11 =	sadd.s32 s5, s0;
	s23 =	sadd.s32 s22, s0  }
0xe: {  	s13 =	sadd.s32 s24, s0;
	s14 =	sadd.s32 s9, s10;
	s15 =	ssub.s32 s25, s15  }
0xf: {  	s16 =	sadd.s32 s7, s2;
	s7 =	sor.u32 $0x1C03, s29;
	s9 =	sadd.s32 $0x29C00, s12  }
0x10: {  	s17 =	sshrl.u32 s30, $0x3;
	s22 =	simm.s32 $0xAF00;
	s24 =	simm.s32 $0x4  }
0x11: {  	s25 =	simm.s32 $0x2;
	s10 =	sshll.u32 s14, $0x1;
	s28 =	sadd.s32 $0x2600, s23  }
0x12: {  	s8 =	sadd.s32 $0x33C00, s13;
	s31 =	sshll.u32 s14, $0x2;
	s11 =	sadd.s32 $0xC400, s11  }
0x13: {  	s14 =	smax.u32 s15, $0x1;
	s15 =	sshrl.u32 s16, $0x3;
	s16 =	simm.s32 $0x3  }
0x14: {  	s23 =	simm.s32 $0x1;
	s0 =	sadd.s32 s10, s0;
	[dreg:$0x6] =	wrdreg s28  }
0x15: {  	v0 =	vimm.s32 $0x0;
	s10 =	sadd.s32 $0x1FE00, s12;
	s12 =	sadd.s32 s1, s31;
	s13 =	sadd.s32 $0x38C00, s0  }
.LBB2_1:
0x16: {  	s0 =	rddreg [dreg:$0x6]  }
0x17: {  	[spmem:s15], [sflag:s7] =	dma.local [hbm:s0], $0x9E0  }
0x18: {  	_ =	swait.ge [sflag:s16], $0x9E0  }
0x19: {  	[sflag:s16] =	ssyncset.done $0x0  }
0x1a: {  	[sflag:s16] =	ssyncadd.s32 $0xFFFFF620  }
0x1b: {  	[spmem:s17], [sflag:s7] =	dma.local [hbm:s8], $0x4F0  }
0x1c: {  	_ =	swait.ge [sflag:s16], $0x4F0  }
0x1d: {  	[sflag:s16] =	ssyncset.done $0x0  }
0x1e: {  	s1 =	simm.s32 $0x10E00;
	s5 =	rddreg [dreg:$0x5];
	[sflag:s16] =	ssyncadd.s32 $0xFFFFFB10  }
0x1f: {  	[tilespmem:s1], [sflag:$0x3] =	stream.linear.gather [hbm4b:s5+s4], $0x800, $0x38;
	[tilespmem:$0x13D80] =	vst v63  }
0x20: {  	_ =	swait.ge [sflag:s16], $0x800  }
0x21: {  	[sflag:s16] =	ssyncset.done $0x0  }
0x22: {  	[sflag:s16] =	ssyncadd.s32 $0xFFFFF800  }
0x23: {  	[tilespmem:s4], [sflag:$0x3] =	stream.linear.gather [hbm4b:s9+s4], $0x4F00, $0x38;
	[tilespmem:$0x13D80] =	vst v63  }
0x24: {  	_ =	swait.ge [sflag:s16], $0x4F00  }
0x25: {  	[sflag:s16] =	ssyncset.done $0x0  }
0x26: {  	s6 =	simm.s32 $0x4F80;
	[sflag:s16] =	ssyncadd.s32 $0xFFFFB100  }
0x27: {  	[tilespmem:s6], [sflag:$0x3] =	stream.linear.gather [hbm4b:s10+s4], $0x4F00, $0x38;
	[tilespmem:$0x13D80] =	vst v63  }
0x28: {  	_ =	swait.ge [sflag:s16], $0x4F00  }
0x29: {  	[sflag:s16] =	ssyncset.done $0x0  }
0x2a: {  	[sflag:s16] =	ssyncadd.s32 $0xFFFFB100  }
0x2b: {  	[tilespmem:$0x4F00] =	vst v0  }
0x2c: {  	[tilespmem:$0x4F10] =	vst v0  }
0x2d: {  	[tilespmem:$0x4F20] =	vst v0  }
0x2e: {  	[tilespmem:$0x4F30] =	vst v0  }
0x2f: {  	[tilespmem:$0x4F40] =	vst v0  }
0x30: {  	[tilespmem:$0x4F50] =	vst v0  }
0x31: {  	[tilespmem:$0x4F60] =	vst v0  }
0x32: {  	[tilespmem:$0x4F70] =	vst v0  }
0x33: {  	[bflag:$0x0] =	sbarrier.arrive $0xFFFF  }
0x34: {  	[tilespmem:s21], [sflag:$0x1] =	stream.indirect.gather [hbm4b:s11+s20], $0x20, s4, s20, $0xb8;
	[tilespmem:$0x13D80] =	vst v63  }
0x35: {  	s18 =	simm.s32 $0x80  }
0x36: {  	[tilespmem:s22], [sflag:$0x2] =	stream.indirect.gather [hbm4b:s11+s20], $0x20, s18, s20, $0xb8;
	[tilespmem:$0x13D80] =	vst v63  }
0x37: {  	_ =	swait.ge [sflag:s23], $0x1000  }
0x38: {  	[sflag:s23] =	ssyncset.done $0x0  }
0x39: {  	s0 =	simm.s32 $0x4F80;
	[sflag:s23] =	ssyncadd.s32 $0xFFFFF000  }
0x3a: {  	[spmem:s2] =	stream.indirect.scatter.add.bf16 [tilespmem:s21], [sflag:$0x4], $0x20, s0, s20, $0xb8;
	[tilespmem:$0x13D80] =	vst v63  }
0x3b: {  	_ =	swait.ge [sflag:s24], $0x1000  }
0x3c: {  	s28 =	simm.s32 @!p0 $0x4;
	[sflag:s24] =	ssyncset.done $0x0  }
0x3d: {  	s29 =	simm.s32 @!p0 $0x80;
	s30 =	simm.s32 @!p0 $0x10E00;
	[sflag:s24] =	ssyncadd.s32 $0xFFFFF000  }
0x3e: {  	[spmem:s3] =	stream.indirect.scatter.add.f32 @!p0 [tilespmem:s30], [sflag:$0x4], $0x10, s0, s29, $0xb8;
	[tilespmem:$0x13D80] =	vst v63  }
0x3f: {  	_ =	swait.ge @!p0 [sflag:s28], $0x800  }
0x40: {  	[sflag:s28] =	ssyncset.done @!p0 $0x0  }
0x41: {  	s19 =	simm.s32 $0x100;
	[sflag:s28] =	ssyncadd.s32 @!p0 $0xFFFFF800  }
0x42: {  	[tilespmem:s21], [sflag:$0x1] =	stream.indirect.gather [hbm4b:s11+s20], $0x20, s19, s20, $0xb8;
	[tilespmem:$0x13D80] =	vst v63  }
0x43: {  	_ =	swait.ge [sflag:s25], $0x1000  }
0x44: {  	[sflag:s25] =	ssyncset.done $0x0  }
0x45: {  	s19 =	simm.s32 $0x5000;
	[sflag:s25] =	ssyncadd.s32 $0xFFFFF000  }
0x46: {  	[spmem:s2] =	stream.indirect.scatter.add.bf16 [tilespmem:s22], [sflag:$0x4], $0x20, s19, s20, $0xb8;
	[tilespmem:$0x13D80] =	vst v63  }
0x47: {  	_ =	swait.ge [sflag:s24], $0x1000  }
0x48: {  	s1 =	simm.s32 @!p1 $0x3;
	[sflag:s24] =	ssyncset.done $0x0  }
0x49: {  	s18 =	simm.s32 @!p1 $0x10E00;
	s0 =	simm.s32 @!p1 $0x80;
	[sflag:s24] =	ssyncadd.s32 $0xFFFFF000  }
0x4a: {  	[spmem:s3] =	stream.indirect.scatter.add.f32 @!p1 [tilespmem:s18], [sflag:$0x3], $0x10, s19, s0, $0xb8;
	[tilespmem:$0x13D80] =	vst v63  }
0x4b: {  	_ =	swait.ge @!p1 [sflag:s1], $0x800  }
0x4c: {  	s31 =	simm.s32 $0x100;
	s19 =	simm.s32 $0x800;
	[sflag:s1] =	ssyncset.done @!p1 $0x0  }
.LBB2_2:
0x4d: {  	s5 =	sadd.s32 $0x80, s31  }
0x4e: {  	[sflag:s1] =	ssyncadd.s32 @!p1 $0xFFFFF800;
	s6 =	smov.u32 s19;
	s19 =	sadd.s32 $0x400, s19  }
0x4f: {  	[tilespmem:s22], [sflag:$0x2] =	stream.indirect.gather [hbm4b:s11+s20], $0x20, s5, s20, $0xb8;
	[tilespmem:$0x13D80] =	vst v63  }
0x50: {  	p2 =	sne.s32 s19, $0x13C00;
	_ =	swait.ge [sflag:s23], $0x1000  }
0x51: {  	[sflag:s23] =	ssyncset.done $0x0  }
0x52: {  	s5 =	sadd.s32 $0x4F80, s31;
	[sflag:s23] =	ssyncadd.s32 $0xFFFFF000  }
0x53: {  	[spmem:s2] =	stream.indirect.scatter.add.bf16 [tilespmem:s21], [sflag:$0x4], $0x20, s5, s20, $0xb8;
	[tilespmem:$0x13D80] =	vst v63  }
0x54: {  	_ =	swait.ge [sflag:s24], $0x1000  }
0x55: {  	[sflag:s24] =	ssyncset.done $0x0  }
0x56: {  	[sflag:s24] =	ssyncadd.s32 $0xFFFFF000  }
0x57: {  	[spmem:s3] =	stream.indirect.scatter.add.f32 @!p0 [tilespmem:s30], [sflag:$0x4], $0x10, s5, s29, $0xb8;
	[tilespmem:$0x13D80] =	vst v63  }
0x58: {  	_ =	swait.ge @!p0 [sflag:s28], $0x800  }
0x59: {  	[sflag:s28] =	ssyncset.done @!p0 $0x0  }
0x5a: {  	s5 =	sadd.s32 $0x100, s31;
	[sflag:s28] =	ssyncadd.s32 @!p0 $0xFFFFF800  }
0x5b: {  	[tilespmem:s21], [sflag:$0x1] =	stream.indirect.gather [hbm4b:s11+s20], $0x20, s5, s20, $0xb8;
	[tilespmem:$0x13D80] =	vst v63  }
0x5c: {  	_ =	swait.ge [sflag:s25], $0x1000  }
0x5d: {  	[sflag:s25] =	ssyncset.done $0x0  }
0x5e: {  	s5 =	sadd.s32 $0x5000, s31;
	[sflag:s25] =	ssyncadd.s32 $0xFFFFF000  }
0x5f: {  	[spmem:s2] =	stream.indirect.scatter.add.bf16 [tilespmem:s22], [sflag:$0x4], $0x20, s5, s20, $0xb8;
	[tilespmem:$0x13D80] =	vst v63  }
0x60: {  	_ =	swait.ge [sflag:s24], $0x1000  }
.Ltmp0:
0x61: {  	[sflag:s24] =	ssyncset.done $0x0;
	(pc) =	sbr.rel @p2 .LBB2_2-.Ltmp0, $4  }
0x62: {  	[sflag:s24] =	ssyncadd.s32 $0xFFFFF000  }
0x63: {  	[spmem:s3] =	stream.indirect.scatter.add.f32 @!p1 [tilespmem:s18], [sflag:$0x3], $0x10, s5, s0, $0xb8;
	[tilespmem:$0x13D80] =	vst v63  }
0x64: {  	_ =	swait.ge @!p1 [sflag:s1], $0x800  }
0x65: {  	s31 =	sshra.s32 s6, $0x2;
	[sflag:s1] =	ssyncset.done @!p1 $0x0  }
0x66: {  	s0 =	sadd.s32 $0x80, s31;
	[sflag:s1] =	ssyncadd.s32 @!p1 $0xFFFFF800  }
0x67: {  	[tilespmem:s22], [sflag:$0x2] =	stream.indirect.gather [hbm4b:s11+s20], $0x20, s0, s20, $0xb8;
	[tilespmem:$0x13D80] =	vst v63  }
0x68: {  	_ =	swait.ge [sflag:s23], $0x1000  }
0x69: {  	[sflag:s23] =	ssyncset.done $0x0  }
0x6a: {  	s0 =	sadd.s32 $0x4F80, s31;
	[sflag:s23] =	ssyncadd.s32 $0xFFFFF000  }
0x6b: {  	[spmem:s2] =	stream.indirect.scatter.add.bf16 [tilespmem:s21], [sflag:$0x4], $0x20, s0, s20, $0xb8;
	[tilespmem:$0x13D80] =	vst v63  }
0x6c: {  	_ =	swait.ge [sflag:s24], $0x1000  }
0x6d: {  	s1 =	simm.s32 @!p0 $0x4;
	[sflag:s24] =	ssyncset.done $0x0  }
0x6e: {  	s5 =	simm.s32 @!p0 $0x80;
	s6 =	simm.s32 @!p0 $0x10E00;
	[sflag:s24] =	ssyncadd.s32 $0xFFFFF000  }
0x6f: {  	[spmem:s3] =	stream.indirect.scatter.add.f32 @!p0 [tilespmem:s6], [sflag:$0x4], $0x10, s0, s5, $0xb8;
	[tilespmem:$0x13D80] =	vst v63  }
0x70: {  	_ =	swait.ge @!p0 [sflag:s1], $0x800  }
0x71: {  	[sflag:s1] =	ssyncset.done @!p0 $0x0  }
0x72: {  	s30 =	sadd.s32 $0x100, s31;
	[sflag:s1] =	ssyncadd.s32 @!p0 $0xFFFFF800  }
0x73: {  	[tilespmem:s21], [sflag:$0x1] =	stream.indirect.gather [hbm4b:s11+s20], $0x20, s30, s20, $0xb8;
	[tilespmem:$0x13D80] =	vst v63  }
0x74: {  	_ =	swait.ge [sflag:s25], $0x1000  }
0x75: {  	[sflag:s25] =	ssyncset.done $0x0  }
0x76: {  	s0 =	sadd.s32 $0x5000, s31;
	[sflag:s25] =	ssyncadd.s32 $0xFFFFF000  }
0x77: {  	[spmem:s2] =	stream.indirect.scatter.add.bf16 [tilespmem:s22], [sflag:$0x4], $0x20, s0, s20, $0xb8;
	[tilespmem:$0x13D80] =	vst v63  }
0x78: {  	_ =	swait.ge [sflag:s24], $0x1000  }
0x79: {  	s5 =	simm.s32 @!p1 $0x80;
	[sflag:s24] =	ssyncset.done $0x0  }
0x7a: {  	s6 =	simm.s32 @!p1 $0x10E00;
	s1 =	simm.s32 @!p1 $0x3;
	[sflag:s24] =	ssyncadd.s32 $0xFFFFF000  }
0x7b: {  	[spmem:s3] =	stream.indirect.scatter.add.f32 @!p1 [tilespmem:s6], [sflag:$0x3], $0x10, s0, s5, $0xb8;
	[tilespmem:$0x13D80] =	vst v63  }
0x7c: {  	_ =	swait.ge @!p1 [sflag:s1], $0x800  }
0x7d: {  	[sflag:s1] =	ssyncset.done @!p1 $0x0  }
0x7e: {  	[sflag:s1] =	ssyncadd.s32 @!p1 $0xFFFFF800  }
0x7f: {  	_ =	swait.ge [sflag:s23], $0x1000  }
0x80: {  	[sflag:s23] =	ssyncset.done $0x0  }
0x81: {  	[sflag:s23] =	ssyncadd.s32 $0xFFFFF000  }
0x82: {  	[bflag:$0x0] =	sbarrier.arrive $0xFFFF  }
0x83: {  	[hbm:s12], [sflag:s7] =	dma.local [spmem:s15], $0x9E0  }
0x84: {  	s26 =	sadd.s32 $0x1, s26;
	_ =	swait.ge [sflag:s16], $0x9E0  }
0x85: {  	p2 =	sne.s32 s26, s14;
	[sflag:s16] =	ssyncset.done $0x0  }
.Ltmp1:
0x86: {  	[sflag:s16] =	ssyncadd.s32 $0xFFFFF620;
	(pc) =	sbr.rel @p2 .LBB2_1-.Ltmp1, $4  }
0x87: {  	[hbm:s13], [sflag:s7] =	dma.local [spmem:s17], $0x4F0  }
0x88: {  	_ =	swait.ge [sflag:s16], $0x4F0  }
0x89: {  	[sflag:s16] =	ssyncset.done $0x0  }
0x8a: {  	[sflag:s16] =	ssyncadd.s32 $0xFFFFFB10  }
0x8b: {  	_ =	sfence.sel $0x180000  }
0x8c: {  	[bflag:$0x0] =	sbarrier.arrive $0xFFFF  }
0x8d: {  	_ =	strace $0x90000047  }
0x8e: {  	s0 =	stileid.u32;
	[bflag:$0x2] =	sbarrier.arrive $0xFFFF  }
0x8f: {  	p0 =	sne.s32 s0, $0x0;
	s0 =	rddreg [dreg:$0x4]  }
0x90: {  	s0 =	sadd.s32 @!p0 $0x100000, s0  }
0x91: {  	[sflag:s0] =	ssyncadd.tile.s32 @!p0 $0x1;
	_ =	shalt  }
.Lfunc_end2:
_tile_overlayer_lowered:
.L_overlay_start_2:
0x92: {  	(tag) =	ssettag $0x2  }
0x93: {  	s0 =	rddreg [dreg:$0x0];
	s2 =	stileid.u32  }
0x94: {  	s1 =	rddreg [dreg:$0x1];
	p0 =	sne.s32 s2, $0x0  }
0x95: {  	s3 =	rddreg [dreg:$0x2];
	[bflag:$0x3] =	sbarrier.arrive $0xFFFF;
	s2 =	simm.s32 @!p0 $0x1C03  }
0x96: {  	[timem:s3], [sflag:s2] =	dma.local @!p0 [hbm:s0], s1  }
0x97: {  	s0 =	simm.s32 @!p0 $0x3  }
0x98: {  	_ =	swait.ge @!p0 [sflag:s0], s1  }
0x99: {  	s1 =	ssub.s32 @!p0 $0x0, s1;
	[sflag:s0] =	ssyncset.done @!p0 $0x0  }
0x9a: {  	[sflag:s0] =	ssyncadd.s32 @!p0 s1  }
0x9b: {  	[bflag:$0x3] =	sbarrier.arrive $0xFFFF  }
0x9c: {  	_ =	shalt  }

// kernel: kernel.9.cloned.1.call-start
scs
__scs_entry_jumppad:
0x0: {  	(pc) =	sbr.rel $0x88, $3  }
0x1: {  	(tag) =	ssettag $0x0;
	lr =	simm.s32 $0x1  }
0x2: {  	[smem:$0x3F99] =	sst lr;
	_ =	strace $0xD0000000  }
0x3: {  	_ = 	snop  }
0x4: {  	_ = 	snop  }
0x5: {  	_ = 	snop  }
0x6: {  	_ = 	snop  }
0x7: {  	_ = 	snop  }
__scs_overlays_trampoline_lowered:
0x8: {  	[smem:$0x3FA8] =	sst s0  }
0x9: {  	[smem:$0x3FA9] =	sst s1  }
0xa: {  	[smem:$0x3FAA] =	sst s2  }
0xb: {  	[smem:$0x3FAB] =	sst s3  }
0xc: {  	[smem:$0x3FAC] =	sst s4  }
0xd: {  	[smem:$0x3FAD] =	sst s5  }
0xe: {  	[smem:$0x3FAE] =	sst s6  }
0xf: {  	[smem:$0x3FAF] =	sst s7  }
0x10: {  	[smem:$0x3FB0] =	sst s8  }
0x11: {  	[smem:$0x3FB1] =	sst s9;
	s0 =	simm.s32 @!p0 $0x0  }
0x12: {  	s1 =	sld [smem:$0x3F97];
	s0 =	simm.s32 @p0 $0x1  }
0x13: {  	[smem:$0x3FB2] =	sst s0;
	s0 =	simm.s32 @!p1 $0x0  }
0x14: {  	s2 =	sld [smem:$0x3F96];
	s0 =	simm.s32 @p1 $0x1  }
0x15: {  	[smem:$0x3FB3] =	sst s0;
	s0 =	simm.s32 @!p2 $0x0  }
0x16: {  	s3 =	sld [smem:$0x3FDB];
	s0 =	simm.s32 @p2 $0x1  }
0x17: {  	s4 =	simm.s32 $0x1BF5;
	[smem:$0x3FB5] =	sst s0  }
0x18: {  	s0 =	sld [smem:$0x3F98];
	_ =	swait.ge [sflag:s4], $0x0  }
0x19: {  	s7 =	sld [smem:$0x3F99]  }
0x1a: {  	s8 =	sadd.s32 $0xFFFFE003, lr  }
0x1b: {  	s9 =	sadd.s32 $0xFFFFFEF7, lr;
	s5 =	simm.s32 $0xFFFFFFFF;
	p2 =	slt.u32 s8, $0xFFFFF086  }
0x1c: {  	p1 =	slt.u32 s9, $0xF7A;
	s5 =	simm.s32 @!p2 $0x0  }
0x1d: {  	s5 =	simm.s32 @p1 $0x1;
	p0 =	seq.s32 s7, s2  }
0x1e: {  	s7 =	smul.u32 @!p0 $0xF7A, s2;
	p2 =	seq.s32 @!p0 s5, $0x0  }
0x1f: {  	s9 =	smul.u32 $0xF7A, s1;
	s8 =	simm.s32 @!p0 $0x1BF5;
	p2 =	por !p2, p0  }
0x20: {  	[sflag:s8] =	ssyncset.s32 @!p0 $0xFFFFF086;
	s6 =	sadd.s32 @!p0 s3, s7;
	s7 =	simm.s32 @!p0 $0x108  }
0x21: {  	s3 =	sadd.s32 s3, s9;
	s6 =	sadd.s32 @!p0 $0x88, s6;
	s7 =	simm.s32 @p2 $0x1082  }
0x22: {  	[simem:s7], [sflag:s8] =	dma.local @!p0 [hbm:s6], $0xF7A  }
0x23: {  	s9 =	sor.u32 $0xD0000000, s2;
	s6 =	simm.s32 $0x108;
	_ =	swait.ge @!p0 [sflag:s8], $0x0  }
0x24: {  	s3 =	sadd.s32 $0x88, s3;
	s6 =	simm.s32 @!p1 $0x1082;
	[sflag:s4] =	ssyncset.s32 $0xFFFFF086  }
0x25: {  	[simem:s6], [sflag:s4] =	dma.local [hbm:s3], $0xF7A  }
0x26: {  	[smem:$0x3F99] =	sst s1;
	(tag) =	ssettag s2;
	_ =	strace s9  }
0x27: {  	s1 =	sld [smem:$0x3FA9]  }
0x28: {  	s2 =	sld [smem:$0x3FAA]  }
0x29: {  	s4 =	sld [smem:$0x3FAC]  }
0x2a: {  	p0 =	seq.s32 s5, $0x0;
	s5 =	sld [smem:$0x3FAD]  }
0x2b: {  	s6 =	sld [smem:$0x3FAE]  }
0x2c: {  	s7 =	sld [smem:$0x3FAF]  }
0x2d: {  	s3 =	simm.s32 $0x108;
	s8 =	sld [smem:$0x3FB0]  }
0x2e: {  	s3 =	simm.s32 @!p0 $0x1082;
	s9 =	sld [smem:$0x3FB1]  }
0x2f: {  	lr =	sadd.s32 s0, s3;
	s0 =	sld [smem:$0x3FA8]  }
0x30: {  	s3 =	sld [smem:$0x3FAB]  }
0x31: {  	[smem:$0x3FB4] =	sst s10  }
0x32: {  	s10 =	sld [smem:$0x3FB2];
	_ =	sdelay $0x3  }
0x33: {  	p0 =	seq.s32 s10, $0x1;
	s10 =	sld [smem:$0x3FB4];
	_ =	sdelay $0x3  }
0x34: {  	[smem:$0x3FB4] =	sst s10  }
0x35: {  	s10 =	sld [smem:$0x3FB3];
	_ =	sdelay $0x3  }
0x36: {  	p1 =	seq.s32 s10, $0x1;
	s10 =	sld [smem:$0x3FB4];
	_ =	sdelay $0x3  }
0x37: {  	[smem:$0x3FB4] =	sst s10  }
0x38: {  	s10 =	sld [smem:$0x3FB5]  }
0x39: {  	_ = 	snop;
	(pc) =	sbr.ind lr, $3  }
0x3a: {  	_ = 	snop  }
0x3b: {  	_ = 	snop  }
0x3c: {  	p2 =	seq.s32 s10, $0x1;
	s10 =	sld [smem:$0x3FB4]  }
0x3d: {  	_ =	shalt  }
0x3e: {  	_ =	shalt  }
0x3f: {  	_ =	shalt  }
0x40: {  	_ =	shalt  }
0x41: {  	_ =	shalt  }
0x42: {  	_ =	shalt  }
0x43: {  	_ =	shalt  }
0x44: {  	_ =	shalt  }
0x45: {  	_ =	shalt  }
0x46: {  	_ =	shalt  }
0x47: {  	_ =	shalt  }
0x48: {  	_ =	shalt  }
0x49: {  	_ =	shalt  }
0x4a: {  	_ =	shalt  }
0x4b: {  	_ =	shalt  }
0x4c: {  	_ =	shalt  }
0x4d: {  	_ =	shalt  }
0x4e: {  	_ =	shalt  }
0x4f: {  	_ =	shalt  }
0x50: {  	_ =	shalt  }
0x51: {  	_ =	shalt  }
0x52: {  	_ =	shalt  }
0x53: {  	_ =	shalt  }
0x54: {  	_ =	shalt  }
0x55: {  	_ =	shalt  }
0x56: {  	_ =	shalt  }
0x57: {  	_ =	shalt  }
0x58: {  	_ =	shalt  }
0x59: {  	_ =	shalt  }
0x5a: {  	_ =	shalt  }
0x5b: {  	_ =	shalt  }
0x5c: {  	_ =	shalt  }
0x5d: {  	_ =	shalt  }
0x5e: {  	_ =	shalt  }
0x5f: {  	_ =	shalt  }
0x60: {  	_ =	shalt  }
0x61: {  	_ =	shalt  }
0x62: {  	_ =	shalt  }
0x63: {  	_ =	shalt  }
0x64: {  	_ =	shalt  }
0x65: {  	_ =	shalt  }
0x66: {  	_ =	shalt  }
0x67: {  	_ =	shalt  }
0x68: {  	_ =	shalt  }
0x69: {  	_ =	shalt  }
0x6a: {  	_ =	shalt  }
0x6b: {  	_ =	shalt  }
0x6c: {  	_ =	shalt  }
0x6d: {  	_ =	shalt  }
0x6e: {  	_ =	shalt  }
0x6f: {  	_ =	shalt  }
0x70: {  	_ =	shalt  }
0x71: {  	_ =	shalt  }
0x72: {  	_ =	shalt  }
0x73: {  	_ =	shalt  }
0x74: {  	_ =	shalt  }
0x75: {  	_ =	shalt  }
0x76: {  	_ =	shalt  }
0x77: {  	_ =	shalt  }
0x78: {  	_ =	shalt  }
0x79: {  	_ =	shalt  }
0x7a: {  	_ =	shalt  }
0x7b: {  	_ =	shalt  }
0x7c: {  	_ =	shalt  }
0x7d: {  	_ =	shalt  }
0x7e: {  	_ =	shalt  }
0x7f: {  	_ =	shalt  }
0x80: {  	_ =	shalt  }
0x81: {  	_ =	shalt  }
0x82: {  	_ =	shalt  }
0x83: {  	_ =	shalt  }
0x84: {  	_ =	shalt  }
0x85: {  	_ =	shalt  }
0x86: {  	_ =	shalt  }
0x87: {  	_ =	shalt  }
.Lfunc_end0:
.L_simem_size_0:
called_computation.1_lowered:
.L_overlay_start_0:
0x88: {  	s2 =	sld [smem:$0x3FD9]  }
0x89: {  	s3 =	sld [smem:$0x3FFE];
	_ =	sdelay $0x1  }
0x8a: {  	s1 =	srdreg.scid  }
0x8b: {  	s0 =	sand.u32 $0x1, s1  }
0x8c: {  	s17 =	sshll.u32 s0, $0xA;
	s2 =	sadd.s32 s3, s2  }
0x8d: {  	s2 =	sadd.s32 s2, s17  }
0x8e: {  	[smem:$0x3FC0] =	sst s2  }
0x8f: {  	_ = 	snop  }
0x90: {  	s2 =	sld [smem:$0x3FD0];
	(tm) =	ssettm $0x1  }
0x91: {  	s18 =	sld [smem:$0x3FFB];
	_ =	sdelay $0x3  }
0x92: {  	_ =	strace s18  }
0x93: {  	s3 =	sld [smem:$0x3FFC];
	_ =	sdelay $0x3  }
0x94: {  	_ =	strace s3  }
0x95: {  	s3 =	sld [smem:$0x3FFD];
	_ =	sdelay $0x3  }
0x96: {  	_ =	strace s3  }
0x97: {  	_ =	strace $0x8FFFFFFF  }
0x98: {  	s19 =	sld [smem:$0x3FDB];
	_ =	sdelay $0x1  }
0x99: {  	s4 =	simm.s32 $_scs_section_size  }
0x9a: {  	s5 =	simm.s32 $_size__tile_overlayer_lowered;
	s6 =	simm.s32 $_tile_overlayer_lowered  }
0x9b: {  	s22 =	simm.s32 $0x1BFF;
	s21 =	sshll.u32 s6, $0x1;
	s3 =	sadd.s32 s4, s19  }
0x9c: {  	s7 =	simm.s32 $0x0;
	s20 =	sshll.u32 s5, $0x1;
	s5 =	sadd.s32 s21, s3  }
0x9d: {  	[timem:s7], [sflag:s22] =	dma.local [hbm:s5], s20  }
0x9e: {  	_ =	swait.ge [sflag:s22], s20  }
0x9f: {  	s4 =	ssub.s32 $0x0, s20;
	[sflag:s22] =	ssyncset.done $0x0  }
0xa0: {  	[sflag:s22] =	ssyncadd.s32 s4;
	_ =	sdelay $0x1  }
0xa1: {  	s23 =	simm.s32 $0x1B8B  }
0xa2: {  	_ =	swait.ge [sflag:s23], $0x1  }
0xa3: {  	[sflag:s23] =	ssyncset.done $0x0  }
0xa4: {  	s25 =	simm.s32 $0x1B8E;
	s24 =	sld [smem:$0x3FFE];
	[sflag:s23] =	ssyncadd.s32 $0xFFFFFFFF  }
0xa5: {  	s26 =	simm.s32 $execute0_lowered;
	[smem:$0x3FD2] =	sst s25  }
0xa6: {  	s5 =	sshll.u32 s26, $0x1;
	_ =	strace $0x80000049;
	[dreg:$0x1] =	wrdreg $0xFFFFFFFF  }
0xa7: {  	s28 =	simm.s32 $_size_execute0_lowered;
	s3 =	sadd.s32 s3, s5;
	[dreg:$0x0] =	wrdreg $0x0  }
0xa8: {  	s5 =	sshll.u32 s28, $0x1;
	[dreg:$0x2] =	wrdreg s3  }
0xa9: {  	[dreg:$0x3] =	wrdreg s5  }
0xaa: {  	[dreg:$0x4] =	wrdreg $0xC0  }
0xab: {  	_ =	task [dreg:s7], $0x5FFFF  }
0xac: {  	[dreg:$0x1] =	wrdreg $0xFFFFFFFF  }
0xad: {  	[dreg:$0x0] =	wrdreg $0x60  }
0xae: {  	[dreg:$0x2] =	wrdreg s24  }
0xaf: {  	[dreg:$0x3] =	wrdreg s2  }
0xb0: {  	[dreg:$0x4] =	wrdreg $0xBF000  }
0xb1: {  	[dreg:$0x5] =	wrdreg $0x9  }
0xb2: {  	_ =	task.clear_ibuf [dreg:s7], $0x6FFFF;
	_ =	strace $0x90000049  }
0xb3: {  	s29 =	simm.s32 $0x9;
	_ =	strace $0x8000004B  }
0xb4: {  	_ =	swait.ge [sflag:s29], $0x1  }
0xb5: {  	[sflag:s29] =	ssyncadd.s32 $0xFFFFFFFF  }
0xb6: {  	_ =	strace $0x9000004B  }
0xb7: {  	_ =	sfence  }
0xb8: {  	s30 =	sld [smem:$0x0];
	_ =	sdelay $0x2  }
0xb9: {  	s31 =	sshll.u32 s1, $0xD;
	s1 =	sshrl.u32 s1, $0x2  }
0xba: {  	s3 =	sand.u32 $0x4000, s31;
	s1 =	sadd.s32 s1, s30  }
0xbb: {  	s0 =	sor.u32 s3, s0;
	s1 =	sshll.u32 s1, $0x11  }
0xbc: {  	s0 =	sor.u32 s1, s0  }
0xbd: {  	s0 =	sadd.s32 $0x8F2B, s0  }
0xbe: {  	[sflag:s0] =	ssyncadd.remote.s32 $0x1  }
0xbf: {  	_ =	sfence.sel $0xFFFF  }
0xc0: {  	[dreg:$0x0] =	wrdreg $0xFFFFFFFF;
	(pc) =	sbr.abs _section_cstart, $3  }
0xc1: {  	[dreg:$0x1] =	wrdreg $0xFFFFFFFF  }
0xc2: {  	_ =	task.clear_ibuf [dreg:s7], $0x2FFFF;
	_ =	strace $0x9FFFFFFF  }
0xc3: {  	(tm) =	ssettm $0x7FFFFFFF  }
tec
execute0_lowered:
.L_overlay_start_1:
0x0: {  	(tag) =	ssettag $0x1  }
0x1: {  	s4 =	rddreg [dreg:$0x0]  }
0x2: {  	s9 =	rddreg [dreg:$0x1]  }
0x3: {  	s1 =	rddreg [dreg:$0x2]  }
0x4: {  	s2 =	srdreg.scid;
	s0 =	rddreg [dreg:$0x3]  }
0x5: {  	s3 =	simm.s32 $0x0;
	s15 =	simm.s32 $0x9F00;
	s16 =	simm.s32 $0xAF00  }
0x6: {  	s17 =	simm.s32 $0x1;
	s5 =	sand.u32 $0x1, s2;
	s2 =	stileid.u32  }
0x7: {  	s18 =	simm.s32 $0x2;
	[smem:$0x7FF] =	sst s3;
	s6 =	smul.u32 $0x9C40, s5  }
0x8: {  	s19 =	simm.s32 $0x0;
	s7 =	smul.u32 $0x9E00, s2;
	_ =	strace $0x8000004A  }
0x9: {  	s8 =	smul.u32 $0x9E0, s2;
	s10 =	ssub.s32 $0x2, s5;
	s30 =	sshll.u32 s2, $0x6  }
0xa: {  	s31 =	smul.u32 $0x9E00, s5;
	s12 =	sshrl.u32 s10, $0x1;
	s5 =	sor.u32 $0x1C03, s30  }
0xb: {  	s11 =	sadd.s32 s6, s4;
	s28 =	sshrl.u32 s7, $0x4;
	s13 =	sadd.s32 s8, s4  }
0xc: {  	s10 =	ssub.s32 s10, s12;
	s29 =	sshrl.u32 s7, $0x1;
	s12 =	sadd.s32 s8, s31  }
0xd: {  	s4 =	sadd.s32 s28, s4;
	s14 =	sadd.s32 s29, s1;
	s6 =	sadd.s32 $0x29C00, s13  }
0xe: {  	s7 =	sadd.s32 $0x1FE00, s13;
	s8 =	sadd.s32 $0xC400, s11;
	s9 =	sadd.s32 s9, s12  }
0xf: {  	s10 =	smax.u32 s10, $0x1;
	s12 =	simm.s32 $0x3;
	s13 =	simm.s32 $0x4F80  }
0x10: {  	v0 =	vimm.s32 $0x0;
	s4 =	sadd.s32 $0x2600, s4;
	s11 =	sshrl.u32 s14, $0x3;
	s14 =	simm.s32 $0x80  }
.LBB2_1:
0x11: {  	[spmem:s11], [sflag:s5] =	dma.local [hbm:s4], $0x9E0  }
0x12: {  	_ =	swait.ge [sflag:s12], $0x9E0  }
0x13: {  	[sflag:s12] =	ssyncset.done $0x0  }
0x14: {  	[sflag:s12] =	ssyncadd.s32 $0xFFFFF620  }
0x15: {  	[tilespmem:s3], [sflag:$0x3] =	stream.linear.gather [hbm4b:s6+s3], $0x4F00, $0x38;
	[tilespmem:$0x10E00] =	vst v63  }
0x16: {  	_ =	swait.ge [sflag:s12], $0x4F00  }
0x17: {  	[sflag:s12] =	ssyncset.done $0x0  }
0x18: {  	[sflag:s12] =	ssyncadd.s32 $0xFFFFB100  }
0x19: {  	[tilespmem:s13], [sflag:$0x3] =	stream.linear.gather [hbm4b:s7+s3], $0x4F00, $0x38;
	[tilespmem:$0x10E00] =	vst v63  }
0x1a: {  	_ =	swait.ge [sflag:s12], $0x4F00  }
0x1b: {  	[sflag:s12] =	ssyncset.done $0x0  }
0x1c: {  	[sflag:s12] =	ssyncadd.s32 $0xFFFFB100  }
0x1d: {  	[tilespmem:$0x4F00] =	vst v0  }
0x1e: {  	[tilespmem:$0x4F10] =	vst v0  }
0x1f: {  	[tilespmem:$0x4F20] =	vst v0  }
0x20: {  	[tilespmem:$0x4F30] =	vst v0  }
0x21: {  	[tilespmem:$0x4F40] =	vst v0  }
0x22: {  	[tilespmem:$0x4F50] =	vst v0  }
0x23: {  	[tilespmem:$0x4F60] =	vst v0  }
0x24: {  	[tilespmem:$0x4F70] =	vst v0  }
0x25: {  	[bflag:$0x0] =	sbarrier.arrive $0xFFFF  }
0x26: {  	[tilespmem:s15], [sflag:$0x1] =	stream.indirect.gather [hbm4b:s8+s14], $0x20, s3, s14, $0xb8;
	[tilespmem:$0x10E00] =	vst v63  }
0x27: {  	s20 =	simm.s32 $0x80  }
0x28: {  	[tilespmem:s16], [sflag:$0x2] =	stream.indirect.gather [hbm4b:s8+s14], $0x20, s20, s14, $0xb8;
	[tilespmem:$0x10E00] =	vst v63  }
0x29: {  	_ =	swait.ge [sflag:s17], $0x1000  }
0x2a: {  	[sflag:s17] =	ssyncset.done $0x0  }
0x2b: {  	s29 =	simm.s32 $0x4F80;
	[sflag:s17] =	ssyncadd.s32 $0xFFFFF000  }
0x2c: {  	[spmem:s1] =	stream.indirect.scatter.add.bf16 [tilespmem:s15], [sflag:$0x3], $0x20, s29, s14, $0xb8;
	[tilespmem:$0x10E00] =	vst v63  }
0x2d: {  	_ =	swait.ge [sflag:s12], $0x1000  }
0x2e: {  	[sflag:s12] =	ssyncset.done $0x0  }
0x2f: {  	s30 =	simm.s32 $0x100;
	[sflag:s12] =	ssyncadd.s32 $0xFFFFF000  }
0x30: {  	[tilespmem:s15], [sflag:$0x1] =	stream.indirect.gather [hbm4b:s8+s14], $0x20, s30, s14, $0xb8;
	[tilespmem:$0x10E00] =	vst v63  }
0x31: {  	_ =	swait.ge [sflag:s18], $0x1000  }
0x32: {  	[sflag:s18] =	ssyncset.done $0x0  }
0x33: {  	s31 =	simm.s32 $0x5000;
	[sflag:s18] =	ssyncadd.s32 $0xFFFFF000  }
0x34: {  	[spmem:s1] =	stream.indirect.scatter.add.bf16 [tilespmem:s16], [sflag:$0x3], $0x20, s31, s14, $0xb8;
	[tilespmem:$0x10E00] =	vst v63  }
0x35: {  	_ =	swait.ge [sflag:s12], $0x1000  }
0x36: {  	s21 =	simm.s32 $0x800;
	s20 =	simm.s32 $0x100;
	[sflag:s12] =	ssyncset.done $0x0  }
.LBB2_2:
0x37: {  	s22 =	sadd.s32 $0x80, s20  }
0x38: {  	[sflag:s12] =	ssyncadd.s32 $0xFFFFF000;
	s23 =	smov.u32 s21;
	s24 =	sadd.s32 $0x400, s21  }
0x39: {  	[tilespmem:s16], [sflag:$0x2] =	stream.indirect.gather [hbm4b:s8+s14], $0x20, s22, s14, $0xb8;
	[tilespmem:$0x10E00] =	vst v63  }
0x3a: {  	p0 =	sne.s32 s21, $0x13800;
	_ =	swait.ge [sflag:s17], $0x1000  }
0x3b: {  	[sflag:s17] =	ssyncset.done $0x0  }
0x3c: {  	s21 =	sadd.s32 $0x4F80, s20;
	[sflag:s17] =	ssyncadd.s32 $0xFFFFF000  }
0x3d: {  	[spmem:s1] =	stream.indirect.scatter.add.bf16 [tilespmem:s15], [sflag:$0x3], $0x20, s21, s14, $0xb8;
	[tilespmem:$0x10E00] =	vst v63  }
0x3e: {  	_ =	swait.ge [sflag:s12], $0x1000  }
0x3f: {  	[sflag:s12] =	ssyncset.done $0x0  }
0x40: {  	s21 =	sadd.s32 $0x100, s20;
	[sflag:s12] =	ssyncadd.s32 $0xFFFFF000  }
0x41: {  	[tilespmem:s15], [sflag:$0x1] =	stream.indirect.gather [hbm4b:s8+s14], $0x20, s21, s14, $0xb8;
	[tilespmem:$0x10E00] =	vst v63  }
0x42: {  	_ =	swait.ge [sflag:s18], $0x1000  }
.Ltmp0:
0x43: {  	[sflag:s18] =	ssyncset.done $0x0;
	(pc) =	sbr.rel @p0 .LBB2_2-.Ltmp0, $4  }
0x44: {  	s20 =	sadd.s32 $0x5000, s20;
	[sflag:s18] =	ssyncadd.s32 $0xFFFFF000  }
0x45: {  	[spmem:s1] =	stream.indirect.scatter.add.bf16 [tilespmem:s16], [sflag:$0x3], $0x20, s20, s14, $0xb8;
	[tilespmem:$0x10E00] =	vst v63  }
0x46: {  	_ =	swait.ge [sflag:s12], $0x1000  }
0x47: {  	s21 =	smov.u32 s24;
	s20 =	sshra.s32 s23, $0x2;
	[sflag:s12] =	ssyncset.done $0x0  }
0x48: {  	s21 =	sadd.s32 $0x80, s20;
	[sflag:s12] =	ssyncadd.s32 $0xFFFFF000  }
0x49: {  	[tilespmem:s16], [sflag:$0x2] =	stream.indirect.gather [hbm4b:s8+s14], $0x20, s21, s14, $0xb8;
	[tilespmem:$0x10E00] =	vst v63  }
0x4a: {  	_ =	swait.ge [sflag:s17], $0x1000  }
0x4b: {  	[sflag:s17] =	ssyncset.done $0x0  }
0x4c: {  	s29 =	sadd.s32 $0x4F80, s20;
	[sflag:s17] =	ssyncadd.s32 $0xFFFFF000  }
0x4d: {  	[spmem:s1] =	stream.indirect.scatter.add.bf16 [tilespmem:s15], [sflag:$0x3], $0x20, s29, s14, $0xb8;
	[tilespmem:$0x10E00] =	vst v63  }
0x4e: {  	_ =	swait.ge [sflag:s12], $0x1000  }
0x4f: {  	[sflag:s12] =	ssyncset.done $0x0  }
0x50: {  	s30 =	sadd.s32 $0x100, s20;
	[sflag:s12] =	ssyncadd.s32 $0xFFFFF000  }
0x51: {  	[tilespmem:s15], [sflag:$0x1] =	stream.indirect.gather [hbm4b:s8+s14], $0x20, s30, s14, $0xb8;
	[tilespmem:$0x10E00] =	vst v63  }
0x52: {  	_ =	swait.ge [sflag:s18], $0x1000  }
0x53: {  	[sflag:s18] =	ssyncset.done $0x0  }
0x54: {  	s31 =	sadd.s32 $0x5000, s20;
	[sflag:s18] =	ssyncadd.s32 $0xFFFFF000  }
0x55: {  	[spmem:s1] =	stream.indirect.scatter.add.bf16 [tilespmem:s16], [sflag:$0x3], $0x20, s31, s14, $0xb8;
	[tilespmem:$0x10E00] =	vst v63  }
0x56: {  	_ =	swait.ge [sflag:s12], $0x1000  }
0x57: {  	[sflag:s12] =	ssyncset.done $0x0  }
0x58: {  	[sflag:s12] =	ssyncadd.s32 $0xFFFFF000  }
0x59: {  	_ =	swait.ge [sflag:s17], $0x1000  }
0x5a: {  	s19 =	sadd.s32 $0x1, s19;
	[sflag:s17] =	ssyncset.done $0x0  }
0x5b: {  	p0 =	sne.s32 s19, s10;
	[sflag:s17] =	ssyncadd.s32 $0xFFFFF000  }
.Ltmp1:
0x5c: {  	[bflag:$0x0] =	sbarrier.arrive $0xFFFF;
	(pc) =	sbr.rel @p0 .LBB2_1-.Ltmp1, $4  }
0x5d: {  	[hbm:s9], [sflag:s5] =	dma.local [spmem:s11], $0x9E0  }
0x5e: {  	_ =	swait.ge [sflag:s12], $0x9E0  }
0x5f: {  	[sflag:s12] =	ssyncset.done $0x0  }
0x60: {  	[sflag:s12] =	ssyncadd.s32 $0xFFFFF620  }
0x61: {  	_ =	sfence.sel $0x180000  }
0x62: {  	[bflag:$0x0] =	sbarrier.arrive $0xFFFF  }
0x63: {  	p0 =	sne.s32 s2, $0x0;
	_ =	strace $0x9000004A  }
0x64: {  	s0 =	sadd.s32 @!p0 $0x100000, s0;
	[bflag:$0x2] =	sbarrier.arrive $0xFFFF  }
0x65: {  	[sflag:s0] =	ssyncadd.tile.s32 @!p0 $0x1;
	_ =	shalt  }
.Lfunc_end2:
_tile_overlayer_lowered:
.L_overlay_start_2:
0x66: {  	(tag) =	ssettag $0x2  }
0x67: {  	s0 =	rddreg [dreg:$0x0];
	s2 =	stileid.u32  }
0x68: {  	s1 =	rddreg [dreg:$0x1];
	p0 =	sne.s32 s2, $0x0  }
0x69: {  	s3 =	rddreg [dreg:$0x2];
	[bflag:$0x3] =	sbarrier.arrive $0xFFFF;
	s2 =	simm.s32 @!p0 $0x1C03  }
0x6a: {  	[timem:s3], [sflag:s2] =	dma.local @!p0 [hbm:s0], s1  }
0x6b: {  	s0 =	simm.s32 @!p0 $0x3  }
0x6c: {  	_ =	swait.ge @!p0 [sflag:s0], s1  }
0x6d: {  	s1 =	ssub.s32 @!p0 $0x0, s1;
	[sflag:s0] =	ssyncset.done @!p0 $0x0  }
0x6e: {  	[sflag:s0] =	ssyncadd.s32 @!p0 s1  }
0x6f: {  	[bflag:$0x3] =	sbarrier.arrive $0xFFFF  }
0x70: {  	_ =	shalt  }

</sc_bundles>
